<compile_context>
chip_gen: v7x
topology: tpu7x:2x2x1
jax: 0.10.2.dev20260603
libtpu: 0.0.44.dev20260713+nightly
codegen_flags: <defaults>
</compile_context>

<pallas_src>
import jax
import jax.numpy as jnp
from jax.experimental import pallas as pl

N = 64
Q = 4
QN = Q * N
NG = 16
SR = NG * QN


def _dot(a, b):
    return jax.lax.dot_general(a, b, (((1,), (0,)), ((), ())),
                               preferred_element_type=jnp.float32)


def _body(adj_ref, x_ref, mk_ref,
          wg0_ref, bg0_ref, wg1_ref, bg1_ref,
          wfold_ref, bfold_ref, w1bd_ref, b1cat_ref,
          wa_ref, aa_ref, ss_ref):
    bf16 = jnp.bfloat16
    rows = jax.lax.broadcasted_iota(jnp.int32, (QN, QN), 0) // N
    cols = jax.lax.broadcasted_iota(jnp.int32, (QN, QN), 1) // N
    blk = rows == cols

    wg0 = wg0_ref[...]
    bg0 = bg0_ref[...]
    wg1 = wg1_ref[...]
    bg1 = bg1_ref[...]
    wfold = wfold_ref[...]
    bfold = bfold_ref[...]
    w1bd = w1bd_ref[...]
    b1cat = b1cat_ref[...]

    mcol = mk_ref[...]
    x2 = x_ref[...]
    xs0 = x2[:, 0:1] * mcol
    xs1 = x2[:, 1:2] * mcol
    u = (xs0 * wg0[0:1, :] + xs1 * wg0[1:2, :]).astype(bf16)

    h2s = []
    for q in range(NG):
        slab = adj_ref[q].astype(bf16)
        bd = jnp.where(blk, jnp.concatenate([slab] * Q, axis=1),
                       jnp.zeros((), bf16))
        lo = q * QN
        t0 = _dot(bd, u[lo:lo + QN])
        h1 = (jnp.maximum(t0 + bg0, 0.0) * mcol[lo:lo + QN]).astype(bf16)
        h2s.append(_dot(bd, h1))
    h2 = jnp.concatenate(h2s, axis=0).astype(bf16)

    h3 = (jnp.maximum(_dot(h2, wg1) + bg1, 0.0) * mcol).astype(bf16)
    hid = jnp.maximum(_dot(h3, wfold) + bfold, 0.0).astype(bf16)
    o = _dot(hid, w1bd) + b1cat
    wa_ref[...] = o[:, 0:64]
    aa_ref[...] = o[:, 64:85]
    ss_ref[...] = o[:, 85:93]


def kernel(x, w_adj, mask, Wg0, bg0, Wg1, bg1, Wmu, bmu,
           Wa0, ba0, Wa1, ba1, Ws0, bs0, Ws1, bs1, Ww0, bw0, Ww1, bw1):
    B = x.shape[0]
    AAo = Wa1.shape[1]
    SSo = Ws1.shape[1]
    HID = Wg1.shape[1]
    ngroups = B // Q
    steps = ngroups // NG
    rows_total = B * N

    adj_r = w_adj.reshape(ngroups, QN, N)
    x_r = x.reshape(rows_total, 2)
    mk_r = mask.astype(jnp.float32).reshape(rows_total, 1)

    f32 = jnp.float32
    bf16 = jnp.bfloat16
    row = lambda v: v.reshape(1, -1)

    wg0_p = jnp.zeros((8, Wg0.shape[1]), f32).at[:2].set(Wg0)
    W0cat = jnp.concatenate([Ww0, Wa0, Ws0], axis=1)
    b0cat = jnp.concatenate([bw0, ba0, bs0])
    Wfold = (Wmu @ W0cat).astype(bf16)
    bfold = row(bmu @ W0cat + b0cat)
    W1bd = jnp.zeros((3 * HID, N + AAo + SSo), f32)
    W1bd = W1bd.at[0:HID, 0:N].set(Ww1)
    W1bd = W1bd.at[HID:2 * HID, N:N + AAo].set(Wa1)
    W1bd = W1bd.at[2 * HID:, N + AAo:].set(Ws1)
    W1bd = W1bd.astype(bf16)
    b1cat = row(jnp.concatenate([bw1, ba1, bs1]))

    weights = (wg0_p, row(bg0), Wg1.astype(bf16), row(bg1),
               Wfold, bfold, W1bd, b1cat)

    rowspec = lambda f: pl.BlockSpec((SR, f), lambda i: (i, 0))
    rep2 = lambda a: pl.BlockSpec(a.shape, lambda i: (0, 0))

    wa_r, aa_r, ss_r = pl.pallas_call(
        _body,
        grid=(steps,),
        in_specs=[
            pl.BlockSpec((NG, QN, N), lambda i: (i, 0, 0)),
            rowspec(2),
            rowspec(1),
        ] + [rep2(w) for w in weights],
        out_specs=[rowspec(N), rowspec(AAo), rowspec(SSo)],
        out_shape=[
            jax.ShapeDtypeStruct((rows_total, N), f32),
            jax.ShapeDtypeStruct((rows_total, AAo), f32),
            jax.ShapeDtypeStruct((rows_total, SSo), f32),
        ],
    )(adj_r, x_r, mk_r, *weights)

    return (aa_r.reshape(B, N, AAo),
            ss_r.reshape(B, N, SSo),
            wa_r.reshape(B, N, N))

# --- scband reference (transcript-rebuilt; emitter-appended) ---
"""Pipeline reference for scband-pro-daae-26319559590754 (READ-ONLY COPY).

The authoritative reference and input builder live on the scoring server;
editing this copy changes nothing except your own understanding.
"""

import jax, jax.numpy as jnp
import numpy as np

B, N = 8192, 64
AA, SS = 20, 7
HID, LAT = 128, 64


def setup_inputs(seed: int = 0) -> dict:
    key = jax.random.key(seed)
    ks = jax.random.split(key, 24)

    def w(k, shape, scale=0.05):
        return (jax.random.normal(k, shape, dtype=jnp.float32) * scale)

    inp = {
        'x': jax.random.normal(ks[0], (B, N, 2), dtype=jnp.float32),
        'w_adj': jax.random.uniform(ks[1], (B, N, N), dtype=jnp.float32),
        'mask': jnp.ones((B, N), dtype=bool),
        # DGC (dense graph conv) encoder: dims [2] + [64] + [128]
        'Wg0': w(ks[2], (2, 64)), 'bg0': jnp.zeros((64,), jnp.float32),
        'Wg1': w(ks[3], (64, HID)), 'bg1': jnp.zeros((HID,), jnp.float32),
        # latent mean head (init uniform +-5e-5 in torch; small normal here)
        'Wmu': w(ks[4], (HID, LAT), 5e-5), 'bmu': jnp.zeros((LAT,), jnp.float32),
        # decoder MLPs: dims [64] + [128] + [out]
        'Wa0': w(ks[5], (LAT, 128)), 'ba0': jnp.zeros((128,), jnp.float32),
        'Wa1': w(ks[6], (128, AA + 1)), 'ba1': jnp.zeros((AA + 1,), jnp.float32),
        'Ws0': w(ks[7], (LAT, 128)), 'bs0': jnp.zeros((128,), jnp.float32),
        'Ws1': w(ks[8], (128, SS + 1)), 'bs1': jnp.zeros((SS + 1,), jnp.float32),
        'Ww0': w(ks[9], (LAT, 128)), 'bw0': jnp.zeros((128,), jnp.float32),
        'Ww1': w(ks[10], (128, N)), 'bw1': jnp.zeros((N,), jnp.float32),
    }
    return inp


def reference(x, w_adj, mask, Wg0, bg0, Wg1, bg1, Wmu, bmu,
              Wa0, ba0, Wa1, ba1, Ws0, bs0, Ws1, bs1, Ww0, bw0, Ww1, bw1):
    m = mask.astype(jnp.float32)[..., None]  # [B, N, 1]

    # ---- encode: stacked dense graph-conv (ECC-style) layers ----
    h = x * m
    h = jnp.einsum('bij,bjf->bif', w_adj, h)          # neighborhood aggregation
    h = jax.nn.relu(h @ Wg0 + bg0) * m
    h = jnp.einsum('bij,bjf->bif', w_adj, h)
    h = jax.nn.relu(h @ Wg1 + bg1) * m
    mu = h @ Wmu + bmu                                # latent mean, [B, N, LAT]
    z = mu                                            # deterministic eval forward

    # ---- decode: three MLP heads (dropout = identity at eval) ----
    def mlp(t, W0, b0, W1, b1):
        return jax.nn.relu(t @ W0 + b0) @ W1 + b1

    out_x_aa = mlp(z, Wa0, ba0, Wa1, ba1)             # [B, N, aa_dim+1]
    out_x_ss = mlp(z, Ws0, bs0, Ws1, bs1)             # [B, N, ss_dim+1]
    out_w_adj = mlp(z, Ww0, bw0, Ww1, bw1).reshape(-1, N, N)  # [B, N, N]
    return (out_x_aa, out_x_ss, out_w_adj)

if __name__ == "__main__":
    import jax
    _d = setup_inputs()
    print(jax.jit(kernel)(*tuple(_d.values())))

</pallas_src>

<mosaic_0001>
module attributes {stable_mosaic.version = 14 : i64} {
  func.func @_body(%arg0: i32, %arg1: memref<16x256x64xf32, #tpu.memory_space<vmem>>, %arg2: memref<4096x2xf32, #tpu.memory_space<vmem>>, %arg3: memref<4096x1xf32, #tpu.memory_space<vmem>>, %arg4: memref<8x64xf32, #tpu.memory_space<vmem>>, %arg5: memref<1x64xf32, #tpu.memory_space<vmem>>, %arg6: memref<64x128xbf16, #tpu.memory_space<vmem>>, %arg7: memref<1x128xf32, #tpu.memory_space<vmem>>, %arg8: memref<128x384xbf16, #tpu.memory_space<vmem>>, %arg9: memref<1x384xf32, #tpu.memory_space<vmem>>, %arg10: memref<384x93xbf16, #tpu.memory_space<vmem>>, %arg11: memref<1x93xf32, #tpu.memory_space<vmem>>, %arg12: memref<4096x64xf32, #tpu.memory_space<vmem>>, %arg13: memref<4096x21xf32, #tpu.memory_space<vmem>>, %arg14: memref<4096x8xf32, #tpu.memory_space<vmem>>) attributes {dimension_semantics = [#tpu.dimension_semantics<arbitrary>], iteration_bounds = array<i64: 128>, scalar_prefetch = 0 : i64, scratch_operands = 0 : i64, tpu.core_type = #tpu.core_type<tc>, window_params = [{transform_indices = @transform_0, window_bounds = array<i64: 16, 256, 64>}, {transform_indices = @transform_1, window_bounds = array<i64: 4096, 2>}, {transform_indices = @transform_2, window_bounds = array<i64: 4096, 1>}, {pipeline_mode = #tpu.pipeline_mode<synchronous>, transform_indices = @transform_3, window_bounds = array<i64: 8, 64>}, {pipeline_mode = #tpu.pipeline_mode<synchronous>, transform_indices = @transform_4, window_bounds = array<i64: 1, 64>}, {pipeline_mode = #tpu.pipeline_mode<synchronous>, transform_indices = @transform_5, window_bounds = array<i64: 64, 128>}, {pipeline_mode = #tpu.pipeline_mode<synchronous>, transform_indices = @transform_6, window_bounds = array<i64: 1, 128>}, {pipeline_mode = #tpu.pipeline_mode<synchronous>, transform_indices = @transform_7, window_bounds = array<i64: 128, 384>}, {pipeline_mode = #tpu.pipeline_mode<synchronous>, transform_indices = @transform_8, window_bounds = array<i64: 1, 384>}, {pipeline_mode = #tpu.pipeline_mode<synchronous>, transform_indices = @transform_9, window_bounds = array<i64: 384, 93>}, {pipeline_mode = #tpu.pipeline_mode<synchronous>, transform_indices = @transform_10, window_bounds = array<i64: 1, 93>}, {transform_indices = @transform_11, window_bounds = array<i64: 4096, 64>}, {transform_indices = @transform_12, window_bounds = array<i64: 4096, 21>}, {transform_indices = @transform_13, window_bounds = array<i64: 4096, 8>}]} {
    %iota3A = tpu.iota {dimensions = array<i32: 0>} : vector<256x256xi32>
    %jit3A = arith.constant 64 : i32
    %div3A = vector.broadcast %jit3A : i32 to vector<256x256xi32>
    %div3A_0 = arith.divsi %iota3A, %div3A : vector<256x256xi32>
    %sign3A = arith.constant 0 : i32
    %sign3A_1 = vector.broadcast %sign3A : i32 to vector<256x256xi32>
    %sign3A_2 = arith.cmpi sgt, %iota3A, %sign3A_1 : vector<256x256xi32>
    %sign3A_3 = arith.extui %sign3A_2 : vector<256x256xi1> to vector<256x256xi32>
    %sign3A_4 = arith.constant 0 : i32
    %sign3A_5 = vector.broadcast %sign3A_4 : i32 to vector<256x256xi32>
    %sign3A_6 = arith.cmpi slt, %iota3A, %sign3A_5 : vector<256x256xi32>
    %sign3A_7 = arith.extui %sign3A_6 : vector<256x256xi1> to vector<256x256xi32>
    %sign3A_8 = arith.subi %sign3A_3, %sign3A_7 : vector<256x256xi32>
    %sign3A_9 = arith.constant 0 : i32
    %sign3A_10 = arith.cmpi sgt, %jit3A, %sign3A_9 : i32
    %sign3A_11 = arith.extui %sign3A_10 : i1 to i32
    %sign3A_12 = arith.constant 0 : i32
    %sign3A_13 = arith.cmpi slt, %jit3A, %sign3A_12 : i32
    %sign3A_14 = arith.extui %sign3A_13 : i1 to i32
    %sign3A_15 = arith.subi %sign3A_11, %sign3A_14 : i32
    %ne3A = vector.broadcast %sign3A_15 : i32 to vector<256x256xi32>
    %ne3A_16 = arith.cmpi ne, %sign3A_8, %ne3A : vector<256x256xi32>
    %rem3A = vector.broadcast %jit3A : i32 to vector<256x256xi32>
    %rem3A_17 = arith.remsi %iota3A, %rem3A : vector<256x256xi32>
    %ne3A_18 = arith.constant 0 : i32
    %ne3A_19 = vector.broadcast %ne3A_18 : i32 to vector<256x256xi32>
    %ne3A_20 = arith.cmpi ne, %rem3A_17, %ne3A_19 : vector<256x256xi32>
    %and3A = arith.andi %ne3A_16, %ne3A_20 : vector<256x256xi1>
    %sub3A = arith.constant 1 : i32
    %sub3A_21 = vector.broadcast %sub3A : i32 to vector<256x256xi32>
    %sub3A_22 = arith.subi %div3A_0, %sub3A_21 : vector<256x256xi32>
    %select_n3A = arith.select %and3A, %sub3A_22, %div3A_0 : vector<256x256xi1>, vector<256x256xi32>
    %iota3A_23 = tpu.iota {dimensions = array<i32: 1>} : vector<256x256xi32>
    %jit3A_24 = arith.constant 64 : i32
    %div3A_25 = vector.broadcast %jit3A_24 : i32 to vector<256x256xi32>
    %div3A_26 = arith.divsi %iota3A_23, %div3A_25 : vector<256x256xi32>
    %sign3A_27 = arith.constant 0 : i32
    %sign3A_28 = vector.broadcast %sign3A_27 : i32 to vector<256x256xi32>
    %sign3A_29 = arith.cmpi sgt, %iota3A_23, %sign3A_28 : vector<256x256xi32>
    %sign3A_30 = arith.extui %sign3A_29 : vector<256x256xi1> to vector<256x256xi32>
    %sign3A_31 = arith.constant 0 : i32
    %sign3A_32 = vector.broadcast %sign3A_31 : i32 to vector<256x256xi32>
    %sign3A_33 = arith.cmpi slt, %iota3A_23, %sign3A_32 : vector<256x256xi32>
    %sign3A_34 = arith.extui %sign3A_33 : vector<256x256xi1> to vector<256x256xi32>
    %sign3A_35 = arith.subi %sign3A_30, %sign3A_34 : vector<256x256xi32>
    %sign3A_36 = arith.constant 0 : i32
    %sign3A_37 = arith.cmpi sgt, %jit3A_24, %sign3A_36 : i32
    %sign3A_38 = arith.extui %sign3A_37 : i1 to i32
    %sign3A_39 = arith.constant 0 : i32
    %sign3A_40 = arith.cmpi slt, %jit3A_24, %sign3A_39 : i32
    %sign3A_41 = arith.extui %sign3A_40 : i1 to i32
    %sign3A_42 = arith.subi %sign3A_38, %sign3A_41 : i32
    %ne3A_43 = vector.broadcast %sign3A_42 : i32 to vector<256x256xi32>
    %ne3A_44 = arith.cmpi ne, %sign3A_35, %ne3A_43 : vector<256x256xi32>
    %rem3A_45 = vector.broadcast %jit3A_24 : i32 to vector<256x256xi32>
    %rem3A_46 = arith.remsi %iota3A_23, %rem3A_45 : vector<256x256xi32>
    %ne3A_47 = arith.constant 0 : i32
    %ne3A_48 = vector.broadcast %ne3A_47 : i32 to vector<256x256xi32>
    %ne3A_49 = arith.cmpi ne, %rem3A_46, %ne3A_48 : vector<256x256xi32>
    %and3A_50 = arith.andi %ne3A_44, %ne3A_49 : vector<256x256xi1>
    %sub3A_51 = arith.constant 1 : i32
    %sub3A_52 = vector.broadcast %sub3A_51 : i32 to vector<256x256xi32>
    %sub3A_53 = arith.subi %div3A_26, %sub3A_52 : vector<256x256xi32>
    %select_n3A_54 = arith.select %and3A_50, %sub3A_53, %div3A_26 : vector<256x256xi1>, vector<256x256xi32>
    %eq3A = arith.cmpi eq, %select_n3A, %select_n3A_54 : vector<256x256xi32>
    %get3A = arith.constant 0 : index
    %get3A_55 = arith.constant 0 : index
    %get3A_56 = vector.load %arg4[%get3A, %get3A_55] : memref<8x64xf32, #tpu.memory_space<vmem>>, vector<8x64xf32>
    %get3A_57 = arith.constant 0 : index
    %get3A_58 = arith.constant 0 : index
    %get3A_59 = vector.load %arg5[%get3A_57, %get3A_58] : memref<1x64xf32, #tpu.memory_space<vmem>>, vector<1x64xf32>
    %get3A_60 = arith.constant 0 : index
    %get3A_61 = arith.constant 0 : index
    %get3A_62 = vector.load %arg6[%get3A_60, %get3A_61] : memref<64x128xbf16, #tpu.memory_space<vmem>>, vector<64x128xbf16>
    %get3A_63 = arith.constant 0 : index
    %get3A_64 = arith.constant 0 : index
    %get3A_65 = vector.load %arg7[%get3A_63, %get3A_64] : memref<1x128xf32, #tpu.memory_space<vmem>>, vector<1x128xf32>
    %get3A_66 = arith.constant 0 : index
    %get3A_67 = arith.constant 0 : index
    %get3A_68 = vector.load %arg8[%get3A_66, %get3A_67] : memref<128x384xbf16, #tpu.memory_space<vmem>>, vector<128x384xbf16>
    %get3A_69 = arith.constant 0 : index
    %get3A_70 = arith.constant 0 : index
    %get3A_71 = vector.load %arg9[%get3A_69, %get3A_70] : memref<1x384xf32, #tpu.memory_space<vmem>>, vector<1x384xf32>
    %get3A_72 = arith.constant 0 : index
    %get3A_73 = arith.constant 0 : index
    %get3A_74 = vector.load %arg10[%get3A_72, %get3A_73] : memref<384x93xbf16, #tpu.memory_space<vmem>>, vector<384x93xbf16>
    %get3A_75 = arith.constant 0 : index
    %get3A_76 = arith.constant 0 : index
    %get3A_77 = vector.load %arg11[%get3A_75, %get3A_76] : memref<1x93xf32, #tpu.memory_space<vmem>>, vector<1x93xf32>
    %get3A_78 = arith.constant 0 : index
    %get3A_79 = arith.constant 0 : index
    %get3A_80 = vector.load %arg3[%get3A_78, %get3A_79] : memref<4096x1xf32, #tpu.memory_space<vmem>>, vector<4096x1xf32>
    %get3A_81 = arith.constant 0 : index
    %get3A_82 = arith.constant 0 : index
    %get3A_83 = vector.load %arg2[%get3A_81, %get3A_82] : memref<4096x2xf32, #tpu.memory_space<vmem>>, vector<4096x2xf32>
    %slice3A = vector.extract_strided_slice %get3A_83 {offsets = [0, 0], sizes = [4096, 1], strides = [1, 1]} : vector<4096x2xf32> to vector<4096x1xf32>
    %mul3A = arith.mulf %slice3A, %get3A_80 : vector<4096x1xf32>
    %slice3A_84 = vector.extract_strided_slice %get3A_83 {offsets = [0, 1], sizes = [4096, 1], strides = [1, 1]} : vector<4096x2xf32> to vector<4096x1xf32>
    %mul3A_85 = arith.mulf %slice3A_84, %get3A_80 : vector<4096x1xf32>
    %slice3A_86 = vector.extract_strided_slice %get3A_56 {offsets = [0, 0], sizes = [1, 64], strides = [1, 1]} : vector<8x64xf32> to vector<1x64xf32>
    %mul3A_87 = vector.broadcast %mul3A : vector<4096x1xf32> to vector<4096x64xf32>
    %mul3A_88 = vector.broadcast %slice3A_86 : vector<1x64xf32> to vector<4096x64xf32>
    %mul3A_89 = arith.mulf %mul3A_87, %mul3A_88 : vector<4096x64xf32>
    %slice3A_90 = vector.extract_strided_slice %get3A_56 {offsets = [1, 0], sizes = [1, 64], strides = [1, 1]} : vector<8x64xf32> to vector<1x64xf32>
    %mul3A_91 = vector.broadcast %mul3A_85 : vector<4096x1xf32> to vector<4096x64xf32>
    %mul3A_92 = vector.broadcast %slice3A_90 : vector<1x64xf32> to vector<4096x64xf32>
    %mul3A_93 = arith.mulf %mul3A_91, %mul3A_92 : vector<4096x64xf32>
    %add3A = arith.addf %mul3A_89, %mul3A_93 : vector<4096x64xf32>
    %convert_element_type3A = arith.truncf %add3A : vector<4096x64xf32> to vector<4096x64xbf16>
    %get3A_94 = arith.constant 0 : index
    %get3A_95 = arith.constant 0 : index
    %get3A_96 = arith.constant 0 : index
    %get3A_97 = vector.load %arg1[%get3A_94, %get3A_95, %get3A_96] : memref<16x256x64xf32, #tpu.memory_space<vmem>>, vector<1x256x64xf32>
    %get3A_98 = vector.shape_cast %get3A_97 : vector<1x256x64xf32> to vector<256x64xf32>
    %convert_element_type3A_99 = arith.truncf %get3A_98 : vector<256x64xf32> to vector<256x64xbf16>
    %concatenate3A = tpu.concatenate %convert_element_type3A_99, %convert_element_type3A_99, %convert_element_type3A_99, %convert_element_type3A_99 in 1 : vector<256x64xbf16>, vector<256x64xbf16>, vector<256x64xbf16>, vector<256x64xbf16> -> vector<256x256xbf16>
    %jit3A_100 = arith.constant 0.000000e+00 : bf16
    %broadcast_in_dim3A = vector.broadcast %jit3A_100 : bf16 to vector<256x256xbf16>
    %select_n3A_101 = arith.select %eq3A, %concatenate3A, %broadcast_in_dim3A : vector<256x256xi1>, vector<256x256xbf16>
    %slice3A_102 = vector.extract_strided_slice %convert_element_type3A {offsets = [0, 0], sizes = [256, 64], strides = [1, 1]} : vector<4096x64xbf16> to vector<256x64xbf16>
    %dot_general3A = arith.constant dense<0.000000e+00> : vector<256x64xf32>
    %dot_general3A_103 = tpu.matmul %select_n3A_101, %slice3A_102, %dot_general3A {dimension_numbers = #tpu.dot_dimension_numbers<[1], [0], [0], [1], [0, 0, 1, 1], [], []>, transpose_lhs_hint = false} : vector<256x256xbf16>, vector<256x64xbf16>, vector<256x64xf32> -> vector<256x64xf32>
    %add3A_104 = vector.broadcast %get3A_59 : vector<1x64xf32> to vector<256x64xf32>
    %add3A_105 = arith.addf %dot_general3A_103, %add3A_104 : vector<256x64xf32>
    %max3A = arith.constant 0.000000e+00 : f32
    %max3A_106 = vector.broadcast %max3A : f32 to vector<256x64xf32>
    %max3A_107 = arith.maximumf %add3A_105, %max3A_106 : vector<256x64xf32>
    %slice3A_108 = vector.extract_strided_slice %get3A_80 {offsets = [0, 0], sizes = [256, 1], strides = [1, 1]} : vector<4096x1xf32> to vector<256x1xf32>
    %mul3A_109 = vector.broadcast %slice3A_108 : vector<256x1xf32> to vector<256x64xf32>
    %mul3A_110 = arith.mulf %max3A_107, %mul3A_109 : vector<256x64xf32>
    %convert_element_type3A_111 = arith.truncf %mul3A_110 : vector<256x64xf32> to vector<256x64xbf16>
    %dot_general3A_112 = arith.constant dense<0.000000e+00> : vector<256x64xf32>
    %dot_general3A_113 = tpu.matmul %select_n3A_101, %convert_element_type3A_111, %dot_general3A_112 {dimension_numbers = #tpu.dot_dimension_numbers<[1], [0], [0], [1], [0, 0, 1, 1], [], []>, transpose_lhs_hint = false} : vector<256x256xbf16>, vector<256x64xbf16>, vector<256x64xf32> -> vector<256x64xf32>
    %get3A_114 = arith.constant 1 : index
    %get3A_115 = arith.constant 0 : index
    %get3A_116 = arith.constant 0 : index
    %get3A_117 = vector.load %arg1[%get3A_114, %get3A_115, %get3A_116] : memref<16x256x64xf32, #tpu.memory_space<vmem>>, vector<1x256x64xf32>
    %get3A_118 = vector.shape_cast %get3A_117 : vector<1x256x64xf32> to vector<256x64xf32>
    %convert_element_type3A_119 = arith.truncf %get3A_118 : vector<256x64xf32> to vector<256x64xbf16>
    %concatenate3A_120 = tpu.concatenate %convert_element_type3A_119, %convert_element_type3A_119, %convert_element_type3A_119, %convert_element_type3A_119 in 1 : vector<256x64xbf16>, vector<256x64xbf16>, vector<256x64xbf16>, vector<256x64xbf16> -> vector<256x256xbf16>
    %jit3A_121 = arith.constant 0.000000e+00 : bf16
    %broadcast_in_dim3A_122 = vector.broadcast %jit3A_121 : bf16 to vector<256x256xbf16>
    %select_n3A_123 = arith.select %eq3A, %concatenate3A_120, %broadcast_in_dim3A_122 : vector<256x256xi1>, vector<256x256xbf16>
    %slice3A_124 = vector.extract_strided_slice %convert_element_type3A {offsets = [256, 0], sizes = [256, 64], strides = [1, 1]} : vector<4096x64xbf16> to vector<256x64xbf16>
    %dot_general3A_125 = arith.constant dense<0.000000e+00> : vector<256x64xf32>
    %dot_general3A_126 = tpu.matmul %select_n3A_123, %slice3A_124, %dot_general3A_125 {dimension_numbers = #tpu.dot_dimension_numbers<[1], [0], [0], [1], [0, 0, 1, 1], [], []>, transpose_lhs_hint = false} : vector<256x256xbf16>, vector<256x64xbf16>, vector<256x64xf32> -> vector<256x64xf32>
    %add3A_127 = vector.broadcast %get3A_59 : vector<1x64xf32> to vector<256x64xf32>
    %add3A_128 = arith.addf %dot_general3A_126, %add3A_127 : vector<256x64xf32>
    %max3A_129 = arith.constant 0.000000e+00 : f32
    %max3A_130 = vector.broadcast %max3A_129 : f32 to vector<256x64xf32>
    %max3A_131 = arith.maximumf %add3A_128, %max3A_130 : vector<256x64xf32>
    %slice3A_132 = vector.extract_strided_slice %get3A_80 {offsets = [256, 0], sizes = [256, 1], strides = [1, 1]} : vector<4096x1xf32> to vector<256x1xf32>
    %mul3A_133 = vector.broadcast %slice3A_132 : vector<256x1xf32> to vector<256x64xf32>
    %mul3A_134 = arith.mulf %max3A_131, %mul3A_133 : vector<256x64xf32>
    %convert_element_type3A_135 = arith.truncf %mul3A_134 : vector<256x64xf32> to vector<256x64xbf16>
    %dot_general3A_136 = arith.constant dense<0.000000e+00> : vector<256x64xf32>
    %dot_general3A_137 = tpu.matmul %select_n3A_123, %convert_element_type3A_135, %dot_general3A_136 {dimension_numbers = #tpu.dot_dimension_numbers<[1], [0], [0], [1], [0, 0, 1, 1], [], []>, transpose_lhs_hint = false} : vector<256x256xbf16>, vector<256x64xbf16>, vector<256x64xf32> -> vector<256x64xf32>
    %get3A_138 = arith.constant 2 : index
    %get3A_139 = arith.constant 0 : index
    %get3A_140 = arith.constant 0 : index
    %get3A_141 = vector.load %arg1[%get3A_138, %get3A_139, %get3A_140] : memref<16x256x64xf32, #tpu.memory_space<vmem>>, vector<1x256x64xf32>
    %get3A_142 = vector.shape_cast %get3A_141 : vector<1x256x64xf32> to vector<256x64xf32>
    %convert_element_type3A_143 = arith.truncf %get3A_142 : vector<256x64xf32> to vector<256x64xbf16>
    %concatenate3A_144 = tpu.concatenate %convert_element_type3A_143, %convert_element_type3A_143, %convert_element_type3A_143, %convert_element_type3A_143 in 1 : vector<256x64xbf16>, vector<256x64xbf16>, vector<256x64xbf16>, vector<256x64xbf16> -> vector<256x256xbf16>
    %jit3A_145 = arith.constant 0.000000e+00 : bf16
    %broadcast_in_dim3A_146 = vector.broadcast %jit3A_145 : bf16 to vector<256x256xbf16>
    %select_n3A_147 = arith.select %eq3A, %concatenate3A_144, %broadcast_in_dim3A_146 : vector<256x256xi1>, vector<256x256xbf16>
    %slice3A_148 = vector.extract_strided_slice %convert_element_type3A {offsets = [512, 0], sizes = [256, 64], strides = [1, 1]} : vector<4096x64xbf16> to vector<256x64xbf16>
    %dot_general3A_149 = arith.constant dense<0.000000e+00> : vector<256x64xf32>
    %dot_general3A_150 = tpu.matmul %select_n3A_147, %slice3A_148, %dot_general3A_149 {dimension_numbers = #tpu.dot_dimension_numbers<[1], [0], [0], [1], [0, 0, 1, 1], [], []>, transpose_lhs_hint = false} : vector<256x256xbf16>, vector<256x64xbf16>, vector<256x64xf32> -> vector<256x64xf32>
    %add3A_151 = vector.broadcast %get3A_59 : vector<1x64xf32> to vector<256x64xf32>
    %add3A_152 = arith.addf %dot_general3A_150, %add3A_151 : vector<256x64xf32>
    %max3A_153 = arith.constant 0.000000e+00 : f32
    %max3A_154 = vector.broadcast %max3A_153 : f32 to vector<256x64xf32>
    %max3A_155 = arith.maximumf %add3A_152, %max3A_154 : vector<256x64xf32>
    %slice3A_156 = vector.extract_strided_slice %get3A_80 {offsets = [512, 0], sizes = [256, 1], strides = [1, 1]} : vector<4096x1xf32> to vector<256x1xf32>
    %mul3A_157 = vector.broadcast %slice3A_156 : vector<256x1xf32> to vector<256x64xf32>
    %mul3A_158 = arith.mulf %max3A_155, %mul3A_157 : vector<256x64xf32>
    %convert_element_type3A_159 = arith.truncf %mul3A_158 : vector<256x64xf32> to vector<256x64xbf16>
    %dot_general3A_160 = arith.constant dense<0.000000e+00> : vector<256x64xf32>
    %dot_general3A_161 = tpu.matmul %select_n3A_147, %convert_element_type3A_159, %dot_general3A_160 {dimension_numbers = #tpu.dot_dimension_numbers<[1], [0], [0], [1], [0, 0, 1, 1], [], []>, transpose_lhs_hint = false} : vector<256x256xbf16>, vector<256x64xbf16>, vector<256x64xf32> -> vector<256x64xf32>
    %get3A_162 = arith.constant 3 : index
    %get3A_163 = arith.constant 0 : index
    %get3A_164 = arith.constant 0 : index
    %get3A_165 = vector.load %arg1[%get3A_162, %get3A_163, %get3A_164] : memref<16x256x64xf32, #tpu.memory_space<vmem>>, vector<1x256x64xf32>
    %get3A_166 = vector.shape_cast %get3A_165 : vector<1x256x64xf32> to vector<256x64xf32>
    %convert_element_type3A_167 = arith.truncf %get3A_166 : vector<256x64xf32> to vector<256x64xbf16>
    %concatenate3A_168 = tpu.concatenate %convert_element_type3A_167, %convert_element_type3A_167, %convert_element_type3A_167, %convert_element_type3A_167 in 1 : vector<256x64xbf16>, vector<256x64xbf16>, vector<256x64xbf16>, vector<256x64xbf16> -> vector<256x256xbf16>
    %jit3A_169 = arith.constant 0.000000e+00 : bf16
    %broadcast_in_dim3A_170 = vector.broadcast %jit3A_169 : bf16 to vector<256x256xbf16>
    %select_n3A_171 = arith.select %eq3A, %concatenate3A_168, %broadcast_in_dim3A_170 : vector<256x256xi1>, vector<256x256xbf16>
    %slice3A_172 = vector.extract_strided_slice %convert_element_type3A {offsets = [768, 0], sizes = [256, 64], strides = [1, 1]} : vector<4096x64xbf16> to vector<256x64xbf16>
    %dot_general3A_173 = arith.constant dense<0.000000e+00> : vector<256x64xf32>
    %dot_general3A_174 = tpu.matmul %select_n3A_171, %slice3A_172, %dot_general3A_173 {dimension_numbers = #tpu.dot_dimension_numbers<[1], [0], [0], [1], [0, 0, 1, 1], [], []>, transpose_lhs_hint = false} : vector<256x256xbf16>, vector<256x64xbf16>, vector<256x64xf32> -> vector<256x64xf32>
    %add3A_175 = vector.broadcast %get3A_59 : vector<1x64xf32> to vector<256x64xf32>
    %add3A_176 = arith.addf %dot_general3A_174, %add3A_175 : vector<256x64xf32>
    %max3A_177 = arith.constant 0.000000e+00 : f32
    %max3A_178 = vector.broadcast %max3A_177 : f32 to vector<256x64xf32>
    %max3A_179 = arith.maximumf %add3A_176, %max3A_178 : vector<256x64xf32>
    %slice3A_180 = vector.extract_strided_slice %get3A_80 {offsets = [768, 0], sizes = [256, 1], strides = [1, 1]} : vector<4096x1xf32> to vector<256x1xf32>
    %mul3A_181 = vector.broadcast %slice3A_180 : vector<256x1xf32> to vector<256x64xf32>
    %mul3A_182 = arith.mulf %max3A_179, %mul3A_181 : vector<256x64xf32>
    %convert_element_type3A_183 = arith.truncf %mul3A_182 : vector<256x64xf32> to vector<256x64xbf16>
    %dot_general3A_184 = arith.constant dense<0.000000e+00> : vector<256x64xf32>
    %dot_general3A_185 = tpu.matmul %select_n3A_171, %convert_element_type3A_183, %dot_general3A_184 {dimension_numbers = #tpu.dot_dimension_numbers<[1], [0], [0], [1], [0, 0, 1, 1], [], []>, transpose_lhs_hint = false} : vector<256x256xbf16>, vector<256x64xbf16>, vector<256x64xf32> -> vector<256x64xf32>
    %get3A_186 = arith.constant 4 : index
    %get3A_187 = arith.constant 0 : index
    %get3A_188 = arith.constant 0 : index
    %get3A_189 = vector.load %arg1[%get3A_186, %get3A_187, %get3A_188] : memref<16x256x64xf32, #tpu.memory_space<vmem>>, vector<1x256x64xf32>
    %get3A_190 = vector.shape_cast %get3A_189 : vector<1x256x64xf32> to vector<256x64xf32>
    %convert_element_type3A_191 = arith.truncf %get3A_190 : vector<256x64xf32> to vector<256x64xbf16>
    %concatenate3A_192 = tpu.concatenate %convert_element_type3A_191, %convert_element_type3A_191, %convert_element_type3A_191, %convert_element_type3A_191 in 1 : vector<256x64xbf16>, vector<256x64xbf16>, vector<256x64xbf16>, vector<256x64xbf16> -> vector<256x256xbf16>
    %jit3A_193 = arith.constant 0.000000e+00 : bf16
    %broadcast_in_dim3A_194 = vector.broadcast %jit3A_193 : bf16 to vector<256x256xbf16>
    %select_n3A_195 = arith.select %eq3A, %concatenate3A_192, %broadcast_in_dim3A_194 : vector<256x256xi1>, vector<256x256xbf16>
    %slice3A_196 = vector.extract_strided_slice %convert_element_type3A {offsets = [1024, 0], sizes = [256, 64], strides = [1, 1]} : vector<4096x64xbf16> to vector<256x64xbf16>
    %dot_general3A_197 = arith.constant dense<0.000000e+00> : vector<256x64xf32>
    %dot_general3A_198 = tpu.matmul %select_n3A_195, %slice3A_196, %dot_general3A_197 {dimension_numbers = #tpu.dot_dimension_numbers<[1], [0], [0], [1], [0, 0, 1, 1], [], []>, transpose_lhs_hint = false} : vector<256x256xbf16>, vector<256x64xbf16>, vector<256x64xf32> -> vector<256x64xf32>
    %add3A_199 = vector.broadcast %get3A_59 : vector<1x64xf32> to vector<256x64xf32>
    %add3A_200 = arith.addf %dot_general3A_198, %add3A_199 : vector<256x64xf32>
    %max3A_201 = arith.constant 0.000000e+00 : f32
    %max3A_202 = vector.broadcast %max3A_201 : f32 to vector<256x64xf32>
    %max3A_203 = arith.maximumf %add3A_200, %max3A_202 : vector<256x64xf32>
    %slice3A_204 = vector.extract_strided_slice %get3A_80 {offsets = [1024, 0], sizes = [256, 1], strides = [1, 1]} : vector<4096x1xf32> to vector<256x1xf32>
    %mul3A_205 = vector.broadcast %slice3A_204 : vector<256x1xf32> to vector<256x64xf32>
    %mul3A_206 = arith.mulf %max3A_203, %mul3A_205 : vector<256x64xf32>
    %convert_element_type3A_207 = arith.truncf %mul3A_206 : vector<256x64xf32> to vector<256x64xbf16>
    %dot_general3A_208 = arith.constant dense<0.000000e+00> : vector<256x64xf32>
    %dot_general3A_209 = tpu.matmul %select_n3A_195, %convert_element_type3A_207, %dot_general3A_208 {dimension_numbers = #tpu.dot_dimension_numbers<[1], [0], [0], [1], [0, 0, 1, 1], [], []>, transpose_lhs_hint = false} : vector<256x256xbf16>, vector<256x64xbf16>, vector<256x64xf32> -> vector<256x64xf32>
    %get3A_210 = arith.constant 5 : index
    %get3A_211 = arith.constant 0 : index
    %get3A_212 = arith.constant 0 : index
    %get3A_213 = vector.load %arg1[%get3A_210, %get3A_211, %get3A_212] : memref<16x256x64xf32, #tpu.memory_space<vmem>>, vector<1x256x64xf32>
    %get3A_214 = vector.shape_cast %get3A_213 : vector<1x256x64xf32> to vector<256x64xf32>
    %convert_element_type3A_215 = arith.truncf %get3A_214 : vector<256x64xf32> to vector<256x64xbf16>
    %concatenate3A_216 = tpu.concatenate %convert_element_type3A_215, %convert_element_type3A_215, %convert_element_type3A_215, %convert_element_type3A_215 in 1 : vector<256x64xbf16>, vector<256x64xbf16>, vector<256x64xbf16>, vector<256x64xbf16> -> vector<256x256xbf16>
    %jit3A_217 = arith.constant 0.000000e+00 : bf16
    %broadcast_in_dim3A_218 = vector.broadcast %jit3A_217 : bf16 to vector<256x256xbf16>
    %select_n3A_219 = arith.select %eq3A, %concatenate3A_216, %broadcast_in_dim3A_218 : vector<256x256xi1>, vector<256x256xbf16>
    %slice3A_220 = vector.extract_strided_slice %convert_element_type3A {offsets = [1280, 0], sizes = [256, 64], strides = [1, 1]} : vector<4096x64xbf16> to vector<256x64xbf16>
    %dot_general3A_221 = arith.constant dense<0.000000e+00> : vector<256x64xf32>
    %dot_general3A_222 = tpu.matmul %select_n3A_219, %slice3A_220, %dot_general3A_221 {dimension_numbers = #tpu.dot_dimension_numbers<[1], [0], [0], [1], [0, 0, 1, 1], [], []>, transpose_lhs_hint = false} : vector<256x256xbf16>, vector<256x64xbf16>, vector<256x64xf32> -> vector<256x64xf32>
    %add3A_223 = vector.broadcast %get3A_59 : vector<1x64xf32> to vector<256x64xf32>
    %add3A_224 = arith.addf %dot_general3A_222, %add3A_223 : vector<256x64xf32>
    %max3A_225 = arith.constant 0.000000e+00 : f32
    %max3A_226 = vector.broadcast %max3A_225 : f32 to vector<256x64xf32>
    %max3A_227 = arith.maximumf %add3A_224, %max3A_226 : vector<256x64xf32>
    %slice3A_228 = vector.extract_strided_slice %get3A_80 {offsets = [1280, 0], sizes = [256, 1], strides = [1, 1]} : vector<4096x1xf32> to vector<256x1xf32>
    %mul3A_229 = vector.broadcast %slice3A_228 : vector<256x1xf32> to vector<256x64xf32>
    %mul3A_230 = arith.mulf %max3A_227, %mul3A_229 : vector<256x64xf32>
    %convert_element_type3A_231 = arith.truncf %mul3A_230 : vector<256x64xf32> to vector<256x64xbf16>
    %dot_general3A_232 = arith.constant dense<0.000000e+00> : vector<256x64xf32>
    %dot_general3A_233 = tpu.matmul %select_n3A_219, %convert_element_type3A_231, %dot_general3A_232 {dimension_numbers = #tpu.dot_dimension_numbers<[1], [0], [0], [1], [0, 0, 1, 1], [], []>, transpose_lhs_hint = false} : vector<256x256xbf16>, vector<256x64xbf16>, vector<256x64xf32> -> vector<256x64xf32>
    %get3A_234 = arith.constant 6 : index
    %get3A_235 = arith.constant 0 : index
    %get3A_236 = arith.constant 0 : index
    %get3A_237 = vector.load %arg1[%get3A_234, %get3A_235, %get3A_236] : memref<16x256x64xf32, #tpu.memory_space<vmem>>, vector<1x256x64xf32>
    %get3A_238 = vector.shape_cast %get3A_237 : vector<1x256x64xf32> to vector<256x64xf32>
    %convert_element_type3A_239 = arith.truncf %get3A_238 : vector<256x64xf32> to vector<256x64xbf16>
    %concatenate3A_240 = tpu.concatenate %convert_element_type3A_239, %convert_element_type3A_239, %convert_element_type3A_239, %convert_element_type3A_239 in 1 : vector<256x64xbf16>, vector<256x64xbf16>, vector<256x64xbf16>, vector<256x64xbf16> -> vector<256x256xbf16>
    %jit3A_241 = arith.constant 0.000000e+00 : bf16
    %broadcast_in_dim3A_242 = vector.broadcast %jit3A_241 : bf16 to vector<256x256xbf16>
    %select_n3A_243 = arith.select %eq3A, %concatenate3A_240, %broadcast_in_dim3A_242 : vector<256x256xi1>, vector<256x256xbf16>
    %slice3A_244 = vector.extract_strided_slice %convert_element_type3A {offsets = [1536, 0], sizes = [256, 64], strides = [1, 1]} : vector<4096x64xbf16> to vector<256x64xbf16>
    %dot_general3A_245 = arith.constant dense<0.000000e+00> : vector<256x64xf32>
    %dot_general3A_246 = tpu.matmul %select_n3A_243, %slice3A_244, %dot_general3A_245 {dimension_numbers = #tpu.dot_dimension_numbers<[1], [0], [0], [1], [0, 0, 1, 1], [], []>, transpose_lhs_hint = false} : vector<256x256xbf16>, vector<256x64xbf16>, vector<256x64xf32> -> vector<256x64xf32>
    %add3A_247 = vector.broadcast %get3A_59 : vector<1x64xf32> to vector<256x64xf32>
    %add3A_248 = arith.addf %dot_general3A_246, %add3A_247 : vector<256x64xf32>
    %max3A_249 = arith.constant 0.000000e+00 : f32
    %max3A_250 = vector.broadcast %max3A_249 : f32 to vector<256x64xf32>
    %max3A_251 = arith.maximumf %add3A_248, %max3A_250 : vector<256x64xf32>
    %slice3A_252 = vector.extract_strided_slice %get3A_80 {offsets = [1536, 0], sizes = [256, 1], strides = [1, 1]} : vector<4096x1xf32> to vector<256x1xf32>
    %mul3A_253 = vector.broadcast %slice3A_252 : vector<256x1xf32> to vector<256x64xf32>
    %mul3A_254 = arith.mulf %max3A_251, %mul3A_253 : vector<256x64xf32>
    %convert_element_type3A_255 = arith.truncf %mul3A_254 : vector<256x64xf32> to vector<256x64xbf16>
    %dot_general3A_256 = arith.constant dense<0.000000e+00> : vector<256x64xf32>
    %dot_general3A_257 = tpu.matmul %select_n3A_243, %convert_element_type3A_255, %dot_general3A_256 {dimension_numbers = #tpu.dot_dimension_numbers<[1], [0], [0], [1], [0, 0, 1, 1], [], []>, transpose_lhs_hint = false} : vector<256x256xbf16>, vector<256x64xbf16>, vector<256x64xf32> -> vector<256x64xf32>
    %get3A_258 = arith.constant 7 : index
    %get3A_259 = arith.constant 0 : index
    %get3A_260 = arith.constant 0 : index
    %get3A_261 = vector.load %arg1[%get3A_258, %get3A_259, %get3A_260] : memref<16x256x64xf32, #tpu.memory_space<vmem>>, vector<1x256x64xf32>
    %get3A_262 = vector.shape_cast %get3A_261 : vector<1x256x64xf32> to vector<256x64xf32>
    %convert_element_type3A_263 = arith.truncf %get3A_262 : vector<256x64xf32> to vector<256x64xbf16>
    %concatenate3A_264 = tpu.concatenate %convert_element_type3A_263, %convert_element_type3A_263, %convert_element_type3A_263, %convert_element_type3A_263 in 1 : vector<256x64xbf16>, vector<256x64xbf16>, vector<256x64xbf16>, vector<256x64xbf16> -> vector<256x256xbf16>
    %jit3A_265 = arith.constant 0.000000e+00 : bf16
    %broadcast_in_dim3A_266 = vector.broadcast %jit3A_265 : bf16 to vector<256x256xbf16>
    %select_n3A_267 = arith.select %eq3A, %concatenate3A_264, %broadcast_in_dim3A_266 : vector<256x256xi1>, vector<256x256xbf16>
    %slice3A_268 = vector.extract_strided_slice %convert_element_type3A {offsets = [1792, 0], sizes = [256, 64], strides = [1, 1]} : vector<4096x64xbf16> to vector<256x64xbf16>
    %dot_general3A_269 = arith.constant dense<0.000000e+00> : vector<256x64xf32>
    %dot_general3A_270 = tpu.matmul %select_n3A_267, %slice3A_268, %dot_general3A_269 {dimension_numbers = #tpu.dot_dimension_numbers<[1], [0], [0], [1], [0, 0, 1, 1], [], []>, transpose_lhs_hint = false} : vector<256x256xbf16>, vector<256x64xbf16>, vector<256x64xf32> -> vector<256x64xf32>
    %add3A_271 = vector.broadcast %get3A_59 : vector<1x64xf32> to vector<256x64xf32>
    %add3A_272 = arith.addf %dot_general3A_270, %add3A_271 : vector<256x64xf32>
    %max3A_273 = arith.constant 0.000000e+00 : f32
    %max3A_274 = vector.broadcast %max3A_273 : f32 to vector<256x64xf32>
    %max3A_275 = arith.maximumf %add3A_272, %max3A_274 : vector<256x64xf32>
    %slice3A_276 = vector.extract_strided_slice %get3A_80 {offsets = [1792, 0], sizes = [256, 1], strides = [1, 1]} : vector<4096x1xf32> to vector<256x1xf32>
    %mul3A_277 = vector.broadcast %slice3A_276 : vector<256x1xf32> to vector<256x64xf32>
    %mul3A_278 = arith.mulf %max3A_275, %mul3A_277 : vector<256x64xf32>
    %convert_element_type3A_279 = arith.truncf %mul3A_278 : vector<256x64xf32> to vector<256x64xbf16>
    %dot_general3A_280 = arith.constant dense<0.000000e+00> : vector<256x64xf32>
    %dot_general3A_281 = tpu.matmul %select_n3A_267, %convert_element_type3A_279, %dot_general3A_280 {dimension_numbers = #tpu.dot_dimension_numbers<[1], [0], [0], [1], [0, 0, 1, 1], [], []>, transpose_lhs_hint = false} : vector<256x256xbf16>, vector<256x64xbf16>, vector<256x64xf32> -> vector<256x64xf32>
    %get3A_282 = arith.constant 8 : index
    %get3A_283 = arith.constant 0 : index
    %get3A_284 = arith.constant 0 : index
    %get3A_285 = vector.load %arg1[%get3A_282, %get3A_283, %get3A_284] : memref<16x256x64xf32, #tpu.memory_space<vmem>>, vector<1x256x64xf32>
    %get3A_286 = vector.shape_cast %get3A_285 : vector<1x256x64xf32> to vector<256x64xf32>
    %convert_element_type3A_287 = arith.truncf %get3A_286 : vector<256x64xf32> to vector<256x64xbf16>
    %concatenate3A_288 = tpu.concatenate %convert_element_type3A_287, %convert_element_type3A_287, %convert_element_type3A_287, %convert_element_type3A_287 in 1 : vector<256x64xbf16>, vector<256x64xbf16>, vector<256x64xbf16>, vector<256x64xbf16> -> vector<256x256xbf16>
    %jit3A_289 = arith.constant 0.000000e+00 : bf16
    %broadcast_in_dim3A_290 = vector.broadcast %jit3A_289 : bf16 to vector<256x256xbf16>
    %select_n3A_291 = arith.select %eq3A, %concatenate3A_288, %broadcast_in_dim3A_290 : vector<256x256xi1>, vector<256x256xbf16>
    %slice3A_292 = vector.extract_strided_slice %convert_element_type3A {offsets = [2048, 0], sizes = [256, 64], strides = [1, 1]} : vector<4096x64xbf16> to vector<256x64xbf16>
    %dot_general3A_293 = arith.constant dense<0.000000e+00> : vector<256x64xf32>
    %dot_general3A_294 = tpu.matmul %select_n3A_291, %slice3A_292, %dot_general3A_293 {dimension_numbers = #tpu.dot_dimension_numbers<[1], [0], [0], [1], [0, 0, 1, 1], [], []>, transpose_lhs_hint = false} : vector<256x256xbf16>, vector<256x64xbf16>, vector<256x64xf32> -> vector<256x64xf32>
    %add3A_295 = vector.broadcast %get3A_59 : vector<1x64xf32> to vector<256x64xf32>
    %add3A_296 = arith.addf %dot_general3A_294, %add3A_295 : vector<256x64xf32>
    %max3A_297 = arith.constant 0.000000e+00 : f32
    %max3A_298 = vector.broadcast %max3A_297 : f32 to vector<256x64xf32>
    %max3A_299 = arith.maximumf %add3A_296, %max3A_298 : vector<256x64xf32>
    %slice3A_300 = vector.extract_strided_slice %get3A_80 {offsets = [2048, 0], sizes = [256, 1], strides = [1, 1]} : vector<4096x1xf32> to vector<256x1xf32>
    %mul3A_301 = vector.broadcast %slice3A_300 : vector<256x1xf32> to vector<256x64xf32>
    %mul3A_302 = arith.mulf %max3A_299, %mul3A_301 : vector<256x64xf32>
    %convert_element_type3A_303 = arith.truncf %mul3A_302 : vector<256x64xf32> to vector<256x64xbf16>
    %dot_general3A_304 = arith.constant dense<0.000000e+00> : vector<256x64xf32>
    %dot_general3A_305 = tpu.matmul %select_n3A_291, %convert_element_type3A_303, %dot_general3A_304 {dimension_numbers = #tpu.dot_dimension_numbers<[1], [0], [0], [1], [0, 0, 1, 1], [], []>, transpose_lhs_hint = false} : vector<256x256xbf16>, vector<256x64xbf16>, vector<256x64xf32> -> vector<256x64xf32>
    %get3A_306 = arith.constant 9 : index
    %get3A_307 = arith.constant 0 : index
    %get3A_308 = arith.constant 0 : index
    %get3A_309 = vector.load %arg1[%get3A_306, %get3A_307, %get3A_308] : memref<16x256x64xf32, #tpu.memory_space<vmem>>, vector<1x256x64xf32>
    %get3A_310 = vector.shape_cast %get3A_309 : vector<1x256x64xf32> to vector<256x64xf32>
    %convert_element_type3A_311 = arith.truncf %get3A_310 : vector<256x64xf32> to vector<256x64xbf16>
    %concatenate3A_312 = tpu.concatenate %convert_element_type3A_311, %convert_element_type3A_311, %convert_element_type3A_311, %convert_element_type3A_311 in 1 : vector<256x64xbf16>, vector<256x64xbf16>, vector<256x64xbf16>, vector<256x64xbf16> -> vector<256x256xbf16>
    %jit3A_313 = arith.constant 0.000000e+00 : bf16
    %broadcast_in_dim3A_314 = vector.broadcast %jit3A_313 : bf16 to vector<256x256xbf16>
    %select_n3A_315 = arith.select %eq3A, %concatenate3A_312, %broadcast_in_dim3A_314 : vector<256x256xi1>, vector<256x256xbf16>
    %slice3A_316 = vector.extract_strided_slice %convert_element_type3A {offsets = [2304, 0], sizes = [256, 64], strides = [1, 1]} : vector<4096x64xbf16> to vector<256x64xbf16>
    %dot_general3A_317 = arith.constant dense<0.000000e+00> : vector<256x64xf32>
    %dot_general3A_318 = tpu.matmul %select_n3A_315, %slice3A_316, %dot_general3A_317 {dimension_numbers = #tpu.dot_dimension_numbers<[1], [0], [0], [1], [0, 0, 1, 1], [], []>, transpose_lhs_hint = false} : vector<256x256xbf16>, vector<256x64xbf16>, vector<256x64xf32> -> vector<256x64xf32>
    %add3A_319 = vector.broadcast %get3A_59 : vector<1x64xf32> to vector<256x64xf32>
    %add3A_320 = arith.addf %dot_general3A_318, %add3A_319 : vector<256x64xf32>
    %max3A_321 = arith.constant 0.000000e+00 : f32
    %max3A_322 = vector.broadcast %max3A_321 : f32 to vector<256x64xf32>
    %max3A_323 = arith.maximumf %add3A_320, %max3A_322 : vector<256x64xf32>
    %slice3A_324 = vector.extract_strided_slice %get3A_80 {offsets = [2304, 0], sizes = [256, 1], strides = [1, 1]} : vector<4096x1xf32> to vector<256x1xf32>
    %mul3A_325 = vector.broadcast %slice3A_324 : vector<256x1xf32> to vector<256x64xf32>
    %mul3A_326 = arith.mulf %max3A_323, %mul3A_325 : vector<256x64xf32>
    %convert_element_type3A_327 = arith.truncf %mul3A_326 : vector<256x64xf32> to vector<256x64xbf16>
    %dot_general3A_328 = arith.constant dense<0.000000e+00> : vector<256x64xf32>
    %dot_general3A_329 = tpu.matmul %select_n3A_315, %convert_element_type3A_327, %dot_general3A_328 {dimension_numbers = #tpu.dot_dimension_numbers<[1], [0], [0], [1], [0, 0, 1, 1], [], []>, transpose_lhs_hint = false} : vector<256x256xbf16>, vector<256x64xbf16>, vector<256x64xf32> -> vector<256x64xf32>
    %get3A_330 = arith.constant 10 : index
    %get3A_331 = arith.constant 0 : index
    %get3A_332 = arith.constant 0 : index
    %get3A_333 = vector.load %arg1[%get3A_330, %get3A_331, %get3A_332] : memref<16x256x64xf32, #tpu.memory_space<vmem>>, vector<1x256x64xf32>
    %get3A_334 = vector.shape_cast %get3A_333 : vector<1x256x64xf32> to vector<256x64xf32>
    %convert_element_type3A_335 = arith.truncf %get3A_334 : vector<256x64xf32> to vector<256x64xbf16>
    %concatenate3A_336 = tpu.concatenate %convert_element_type3A_335, %convert_element_type3A_335, %convert_element_type3A_335, %convert_element_type3A_335 in 1 : vector<256x64xbf16>, vector<256x64xbf16>, vector<256x64xbf16>, vector<256x64xbf16> -> vector<256x256xbf16>
    %jit3A_337 = arith.constant 0.000000e+00 : bf16
    %broadcast_in_dim3A_338 = vector.broadcast %jit3A_337 : bf16 to vector<256x256xbf16>
    %select_n3A_339 = arith.select %eq3A, %concatenate3A_336, %broadcast_in_dim3A_338 : vector<256x256xi1>, vector<256x256xbf16>
    %slice3A_340 = vector.extract_strided_slice %convert_element_type3A {offsets = [2560, 0], sizes = [256, 64], strides = [1, 1]} : vector<4096x64xbf16> to vector<256x64xbf16>
    %dot_general3A_341 = arith.constant dense<0.000000e+00> : vector<256x64xf32>
    %dot_general3A_342 = tpu.matmul %select_n3A_339, %slice3A_340, %dot_general3A_341 {dimension_numbers = #tpu.dot_dimension_numbers<[1], [0], [0], [1], [0, 0, 1, 1], [], []>, transpose_lhs_hint = false} : vector<256x256xbf16>, vector<256x64xbf16>, vector<256x64xf32> -> vector<256x64xf32>
    %add3A_343 = vector.broadcast %get3A_59 : vector<1x64xf32> to vector<256x64xf32>
    %add3A_344 = arith.addf %dot_general3A_342, %add3A_343 : vector<256x64xf32>
    %max3A_345 = arith.constant 0.000000e+00 : f32
    %max3A_346 = vector.broadcast %max3A_345 : f32 to vector<256x64xf32>
    %max3A_347 = arith.maximumf %add3A_344, %max3A_346 : vector<256x64xf32>
    %slice3A_348 = vector.extract_strided_slice %get3A_80 {offsets = [2560, 0], sizes = [256, 1], strides = [1, 1]} : vector<4096x1xf32> to vector<256x1xf32>
    %mul3A_349 = vector.broadcast %slice3A_348 : vector<256x1xf32> to vector<256x64xf32>
    %mul3A_350 = arith.mulf %max3A_347, %mul3A_349 : vector<256x64xf32>
    %convert_element_type3A_351 = arith.truncf %mul3A_350 : vector<256x64xf32> to vector<256x64xbf16>
    %dot_general3A_352 = arith.constant dense<0.000000e+00> : vector<256x64xf32>
    %dot_general3A_353 = tpu.matmul %select_n3A_339, %convert_element_type3A_351, %dot_general3A_352 {dimension_numbers = #tpu.dot_dimension_numbers<[1], [0], [0], [1], [0, 0, 1, 1], [], []>, transpose_lhs_hint = false} : vector<256x256xbf16>, vector<256x64xbf16>, vector<256x64xf32> -> vector<256x64xf32>
    %get3A_354 = arith.constant 11 : index
    %get3A_355 = arith.constant 0 : index
    %get3A_356 = arith.constant 0 : index
    %get3A_357 = vector.load %arg1[%get3A_354, %get3A_355, %get3A_356] : memref<16x256x64xf32, #tpu.memory_space<vmem>>, vector<1x256x64xf32>
    %get3A_358 = vector.shape_cast %get3A_357 : vector<1x256x64xf32> to vector<256x64xf32>
    %convert_element_type3A_359 = arith.truncf %get3A_358 : vector<256x64xf32> to vector<256x64xbf16>
    %concatenate3A_360 = tpu.concatenate %convert_element_type3A_359, %convert_element_type3A_359, %convert_element_type3A_359, %convert_element_type3A_359 in 1 : vector<256x64xbf16>, vector<256x64xbf16>, vector<256x64xbf16>, vector<256x64xbf16> -> vector<256x256xbf16>
    %jit3A_361 = arith.constant 0.000000e+00 : bf16
    %broadcast_in_dim3A_362 = vector.broadcast %jit3A_361 : bf16 to vector<256x256xbf16>
    %select_n3A_363 = arith.select %eq3A, %concatenate3A_360, %broadcast_in_dim3A_362 : vector<256x256xi1>, vector<256x256xbf16>
    %slice3A_364 = vector.extract_strided_slice %convert_element_type3A {offsets = [2816, 0], sizes = [256, 64], strides = [1, 1]} : vector<4096x64xbf16> to vector<256x64xbf16>
    %dot_general3A_365 = arith.constant dense<0.000000e+00> : vector<256x64xf32>
    %dot_general3A_366 = tpu.matmul %select_n3A_363, %slice3A_364, %dot_general3A_365 {dimension_numbers = #tpu.dot_dimension_numbers<[1], [0], [0], [1], [0, 0, 1, 1], [], []>, transpose_lhs_hint = false} : vector<256x256xbf16>, vector<256x64xbf16>, vector<256x64xf32> -> vector<256x64xf32>
    %add3A_367 = vector.broadcast %get3A_59 : vector<1x64xf32> to vector<256x64xf32>
    %add3A_368 = arith.addf %dot_general3A_366, %add3A_367 : vector<256x64xf32>
    %max3A_369 = arith.constant 0.000000e+00 : f32
    %max3A_370 = vector.broadcast %max3A_369 : f32 to vector<256x64xf32>
    %max3A_371 = arith.maximumf %add3A_368, %max3A_370 : vector<256x64xf32>
    %slice3A_372 = vector.extract_strided_slice %get3A_80 {offsets = [2816, 0], sizes = [256, 1], strides = [1, 1]} : vector<4096x1xf32> to vector<256x1xf32>
    %mul3A_373 = vector.broadcast %slice3A_372 : vector<256x1xf32> to vector<256x64xf32>
    %mul3A_374 = arith.mulf %max3A_371, %mul3A_373 : vector<256x64xf32>
    %convert_element_type3A_375 = arith.truncf %mul3A_374 : vector<256x64xf32> to vector<256x64xbf16>
    %dot_general3A_376 = arith.constant dense<0.000000e+00> : vector<256x64xf32>
    %dot_general3A_377 = tpu.matmul %select_n3A_363, %convert_element_type3A_375, %dot_general3A_376 {dimension_numbers = #tpu.dot_dimension_numbers<[1], [0], [0], [1], [0, 0, 1, 1], [], []>, transpose_lhs_hint = false} : vector<256x256xbf16>, vector<256x64xbf16>, vector<256x64xf32> -> vector<256x64xf32>
    %get3A_378 = arith.constant 12 : index
    %get3A_379 = arith.constant 0 : index
    %get3A_380 = arith.constant 0 : index
    %get3A_381 = vector.load %arg1[%get3A_378, %get3A_379, %get3A_380] : memref<16x256x64xf32, #tpu.memory_space<vmem>>, vector<1x256x64xf32>
    %get3A_382 = vector.shape_cast %get3A_381 : vector<1x256x64xf32> to vector<256x64xf32>
    %convert_element_type3A_383 = arith.truncf %get3A_382 : vector<256x64xf32> to vector<256x64xbf16>
    %concatenate3A_384 = tpu.concatenate %convert_element_type3A_383, %convert_element_type3A_383, %convert_element_type3A_383, %convert_element_type3A_383 in 1 : vector<256x64xbf16>, vector<256x64xbf16>, vector<256x64xbf16>, vector<256x64xbf16> -> vector<256x256xbf16>
    %jit3A_385 = arith.constant 0.000000e+00 : bf16
    %broadcast_in_dim3A_386 = vector.broadcast %jit3A_385 : bf16 to vector<256x256xbf16>
    %select_n3A_387 = arith.select %eq3A, %concatenate3A_384, %broadcast_in_dim3A_386 : vector<256x256xi1>, vector<256x256xbf16>
    %slice3A_388 = vector.extract_strided_slice %convert_element_type3A {offsets = [3072, 0], sizes = [256, 64], strides = [1, 1]} : vector<4096x64xbf16> to vector<256x64xbf16>
    %dot_general3A_389 = arith.constant dense<0.000000e+00> : vector<256x64xf32>
    %dot_general3A_390 = tpu.matmul %select_n3A_387, %slice3A_388, %dot_general3A_389 {dimension_numbers = #tpu.dot_dimension_numbers<[1], [0], [0], [1], [0, 0, 1, 1], [], []>, transpose_lhs_hint = false} : vector<256x256xbf16>, vector<256x64xbf16>, vector<256x64xf32> -> vector<256x64xf32>
    %add3A_391 = vector.broadcast %get3A_59 : vector<1x64xf32> to vector<256x64xf32>
    %add3A_392 = arith.addf %dot_general3A_390, %add3A_391 : vector<256x64xf32>
    %max3A_393 = arith.constant 0.000000e+00 : f32
    %max3A_394 = vector.broadcast %max3A_393 : f32 to vector<256x64xf32>
    %max3A_395 = arith.maximumf %add3A_392, %max3A_394 : vector<256x64xf32>
    %slice3A_396 = vector.extract_strided_slice %get3A_80 {offsets = [3072, 0], sizes = [256, 1], strides = [1, 1]} : vector<4096x1xf32> to vector<256x1xf32>
    %mul3A_397 = vector.broadcast %slice3A_396 : vector<256x1xf32> to vector<256x64xf32>
    %mul3A_398 = arith.mulf %max3A_395, %mul3A_397 : vector<256x64xf32>
    %convert_element_type3A_399 = arith.truncf %mul3A_398 : vector<256x64xf32> to vector<256x64xbf16>
    %dot_general3A_400 = arith.constant dense<0.000000e+00> : vector<256x64xf32>
    %dot_general3A_401 = tpu.matmul %select_n3A_387, %convert_element_type3A_399, %dot_general3A_400 {dimension_numbers = #tpu.dot_dimension_numbers<[1], [0], [0], [1], [0, 0, 1, 1], [], []>, transpose_lhs_hint = false} : vector<256x256xbf16>, vector<256x64xbf16>, vector<256x64xf32> -> vector<256x64xf32>
    %get3A_402 = arith.constant 13 : index
    %get3A_403 = arith.constant 0 : index
    %get3A_404 = arith.constant 0 : index
    %get3A_405 = vector.load %arg1[%get3A_402, %get3A_403, %get3A_404] : memref<16x256x64xf32, #tpu.memory_space<vmem>>, vector<1x256x64xf32>
    %get3A_406 = vector.shape_cast %get3A_405 : vector<1x256x64xf32> to vector<256x64xf32>
    %convert_element_type3A_407 = arith.truncf %get3A_406 : vector<256x64xf32> to vector<256x64xbf16>
    %concatenate3A_408 = tpu.concatenate %convert_element_type3A_407, %convert_element_type3A_407, %convert_element_type3A_407, %convert_element_type3A_407 in 1 : vector<256x64xbf16>, vector<256x64xbf16>, vector<256x64xbf16>, vector<256x64xbf16> -> vector<256x256xbf16>
    %jit3A_409 = arith.constant 0.000000e+00 : bf16
    %broadcast_in_dim3A_410 = vector.broadcast %jit3A_409 : bf16 to vector<256x256xbf16>
    %select_n3A_411 = arith.select %eq3A, %concatenate3A_408, %broadcast_in_dim3A_410 : vector<256x256xi1>, vector<256x256xbf16>
    %slice3A_412 = vector.extract_strided_slice %convert_element_type3A {offsets = [3328, 0], sizes = [256, 64], strides = [1, 1]} : vector<4096x64xbf16> to vector<256x64xbf16>
    %dot_general3A_413 = arith.constant dense<0.000000e+00> : vector<256x64xf32>
    %dot_general3A_414 = tpu.matmul %select_n3A_411, %slice3A_412, %dot_general3A_413 {dimension_numbers = #tpu.dot_dimension_numbers<[1], [0], [0], [1], [0, 0, 1, 1], [], []>, transpose_lhs_hint = false} : vector<256x256xbf16>, vector<256x64xbf16>, vector<256x64xf32> -> vector<256x64xf32>
    %add3A_415 = vector.broadcast %get3A_59 : vector<1x64xf32> to vector<256x64xf32>
    %add3A_416 = arith.addf %dot_general3A_414, %add3A_415 : vector<256x64xf32>
    %max3A_417 = arith.constant 0.000000e+00 : f32
    %max3A_418 = vector.broadcast %max3A_417 : f32 to vector<256x64xf32>
    %max3A_419 = arith.maximumf %add3A_416, %max3A_418 : vector<256x64xf32>
    %slice3A_420 = vector.extract_strided_slice %get3A_80 {offsets = [3328, 0], sizes = [256, 1], strides = [1, 1]} : vector<4096x1xf32> to vector<256x1xf32>
    %mul3A_421 = vector.broadcast %slice3A_420 : vector<256x1xf32> to vector<256x64xf32>
    %mul3A_422 = arith.mulf %max3A_419, %mul3A_421 : vector<256x64xf32>
    %convert_element_type3A_423 = arith.truncf %mul3A_422 : vector<256x64xf32> to vector<256x64xbf16>
    %dot_general3A_424 = arith.constant dense<0.000000e+00> : vector<256x64xf32>
    %dot_general3A_425 = tpu.matmul %select_n3A_411, %convert_element_type3A_423, %dot_general3A_424 {dimension_numbers = #tpu.dot_dimension_numbers<[1], [0], [0], [1], [0, 0, 1, 1], [], []>, transpose_lhs_hint = false} : vector<256x256xbf16>, vector<256x64xbf16>, vector<256x64xf32> -> vector<256x64xf32>
    %get3A_426 = arith.constant 14 : index
    %get3A_427 = arith.constant 0 : index
    %get3A_428 = arith.constant 0 : index
    %get3A_429 = vector.load %arg1[%get3A_426, %get3A_427, %get3A_428] : memref<16x256x64xf32, #tpu.memory_space<vmem>>, vector<1x256x64xf32>
    %get3A_430 = vector.shape_cast %get3A_429 : vector<1x256x64xf32> to vector<256x64xf32>
    %convert_element_type3A_431 = arith.truncf %get3A_430 : vector<256x64xf32> to vector<256x64xbf16>
    %concatenate3A_432 = tpu.concatenate %convert_element_type3A_431, %convert_element_type3A_431, %convert_element_type3A_431, %convert_element_type3A_431 in 1 : vector<256x64xbf16>, vector<256x64xbf16>, vector<256x64xbf16>, vector<256x64xbf16> -> vector<256x256xbf16>
    %jit3A_433 = arith.constant 0.000000e+00 : bf16
    %broadcast_in_dim3A_434 = vector.broadcast %jit3A_433 : bf16 to vector<256x256xbf16>
    %select_n3A_435 = arith.select %eq3A, %concatenate3A_432, %broadcast_in_dim3A_434 : vector<256x256xi1>, vector<256x256xbf16>
    %slice3A_436 = vector.extract_strided_slice %convert_element_type3A {offsets = [3584, 0], sizes = [256, 64], strides = [1, 1]} : vector<4096x64xbf16> to vector<256x64xbf16>
    %dot_general3A_437 = arith.constant dense<0.000000e+00> : vector<256x64xf32>
    %dot_general3A_438 = tpu.matmul %select_n3A_435, %slice3A_436, %dot_general3A_437 {dimension_numbers = #tpu.dot_dimension_numbers<[1], [0], [0], [1], [0, 0, 1, 1], [], []>, transpose_lhs_hint = false} : vector<256x256xbf16>, vector<256x64xbf16>, vector<256x64xf32> -> vector<256x64xf32>
    %add3A_439 = vector.broadcast %get3A_59 : vector<1x64xf32> to vector<256x64xf32>
    %add3A_440 = arith.addf %dot_general3A_438, %add3A_439 : vector<256x64xf32>
    %max3A_441 = arith.constant 0.000000e+00 : f32
    %max3A_442 = vector.broadcast %max3A_441 : f32 to vector<256x64xf32>
    %max3A_443 = arith.maximumf %add3A_440, %max3A_442 : vector<256x64xf32>
    %slice3A_444 = vector.extract_strided_slice %get3A_80 {offsets = [3584, 0], sizes = [256, 1], strides = [1, 1]} : vector<4096x1xf32> to vector<256x1xf32>
    %mul3A_445 = vector.broadcast %slice3A_444 : vector<256x1xf32> to vector<256x64xf32>
    %mul3A_446 = arith.mulf %max3A_443, %mul3A_445 : vector<256x64xf32>
    %convert_element_type3A_447 = arith.truncf %mul3A_446 : vector<256x64xf32> to vector<256x64xbf16>
    %dot_general3A_448 = arith.constant dense<0.000000e+00> : vector<256x64xf32>
    %dot_general3A_449 = tpu.matmul %select_n3A_435, %convert_element_type3A_447, %dot_general3A_448 {dimension_numbers = #tpu.dot_dimension_numbers<[1], [0], [0], [1], [0, 0, 1, 1], [], []>, transpose_lhs_hint = false} : vector<256x256xbf16>, vector<256x64xbf16>, vector<256x64xf32> -> vector<256x64xf32>
    %get3A_450 = arith.constant 15 : index
    %get3A_451 = arith.constant 0 : index
    %get3A_452 = arith.constant 0 : index
    %get3A_453 = vector.load %arg1[%get3A_450, %get3A_451, %get3A_452] : memref<16x256x64xf32, #tpu.memory_space<vmem>>, vector<1x256x64xf32>
    %get3A_454 = vector.shape_cast %get3A_453 : vector<1x256x64xf32> to vector<256x64xf32>
    %convert_element_type3A_455 = arith.truncf %get3A_454 : vector<256x64xf32> to vector<256x64xbf16>
    %concatenate3A_456 = tpu.concatenate %convert_element_type3A_455, %convert_element_type3A_455, %convert_element_type3A_455, %convert_element_type3A_455 in 1 : vector<256x64xbf16>, vector<256x64xbf16>, vector<256x64xbf16>, vector<256x64xbf16> -> vector<256x256xbf16>
    %jit3A_457 = arith.constant 0.000000e+00 : bf16
    %broadcast_in_dim3A_458 = vector.broadcast %jit3A_457 : bf16 to vector<256x256xbf16>
    %select_n3A_459 = arith.select %eq3A, %concatenate3A_456, %broadcast_in_dim3A_458 : vector<256x256xi1>, vector<256x256xbf16>
    %slice3A_460 = vector.extract_strided_slice %convert_element_type3A {offsets = [3840, 0], sizes = [256, 64], strides = [1, 1]} : vector<4096x64xbf16> to vector<256x64xbf16>
    %dot_general3A_461 = arith.constant dense<0.000000e+00> : vector<256x64xf32>
    %dot_general3A_462 = tpu.matmul %select_n3A_459, %slice3A_460, %dot_general3A_461 {dimension_numbers = #tpu.dot_dimension_numbers<[1], [0], [0], [1], [0, 0, 1, 1], [], []>, transpose_lhs_hint = false} : vector<256x256xbf16>, vector<256x64xbf16>, vector<256x64xf32> -> vector<256x64xf32>
    %add3A_463 = vector.broadcast %get3A_59 : vector<1x64xf32> to vector<256x64xf32>
    %add3A_464 = arith.addf %dot_general3A_462, %add3A_463 : vector<256x64xf32>
    %max3A_465 = arith.constant 0.000000e+00 : f32
    %max3A_466 = vector.broadcast %max3A_465 : f32 to vector<256x64xf32>
    %max3A_467 = arith.maximumf %add3A_464, %max3A_466 : vector<256x64xf32>
    %slice3A_468 = vector.extract_strided_slice %get3A_80 {offsets = [3840, 0], sizes = [256, 1], strides = [1, 1]} : vector<4096x1xf32> to vector<256x1xf32>
    %mul3A_469 = vector.broadcast %slice3A_468 : vector<256x1xf32> to vector<256x64xf32>
    %mul3A_470 = arith.mulf %max3A_467, %mul3A_469 : vector<256x64xf32>
    %convert_element_type3A_471 = arith.truncf %mul3A_470 : vector<256x64xf32> to vector<256x64xbf16>
    %dot_general3A_472 = arith.constant dense<0.000000e+00> : vector<256x64xf32>
    %dot_general3A_473 = tpu.matmul %select_n3A_459, %convert_element_type3A_471, %dot_general3A_472 {dimension_numbers = #tpu.dot_dimension_numbers<[1], [0], [0], [1], [0, 0, 1, 1], [], []>, transpose_lhs_hint = false} : vector<256x256xbf16>, vector<256x64xbf16>, vector<256x64xf32> -> vector<256x64xf32>
    %concatenate3A_474 = tpu.concatenate %dot_general3A_113, %dot_general3A_137, %dot_general3A_161, %dot_general3A_185, %dot_general3A_209, %dot_general3A_233, %dot_general3A_257, %dot_general3A_281, %dot_general3A_305, %dot_general3A_329, %dot_general3A_353, %dot_general3A_377, %dot_general3A_401, %dot_general3A_425, %dot_general3A_449, %dot_general3A_473 in 0 : vector<256x64xf32>, vector<256x64xf32>, vector<256x64xf32>, vector<256x64xf32>, vector<256x64xf32>, vector<256x64xf32>, vector<256x64xf32>, vector<256x64xf32>, vector<256x64xf32>, vector<256x64xf32>, vector<256x64xf32>, vector<256x64xf32>, vector<256x64xf32>, vector<256x64xf32>, vector<256x64xf32>, vector<256x64xf32> -> vector<4096x64xf32>
    %convert_element_type3A_475 = arith.truncf %concatenate3A_474 : vector<4096x64xf32> to vector<4096x64xbf16>
    %dot_general3A_476 = arith.constant dense<0.000000e+00> : vector<4096x128xf32>
    %dot_general3A_477 = tpu.matmul %convert_element_type3A_475, %get3A_62, %dot_general3A_476 {dimension_numbers = #tpu.dot_dimension_numbers<[1], [0], [0], [1], [0, 0, 1, 1], [], []>, transpose_lhs_hint = false} : vector<4096x64xbf16>, vector<64x128xbf16>, vector<4096x128xf32> -> vector<4096x128xf32>
    %add3A_478 = vector.broadcast %get3A_65 : vector<1x128xf32> to vector<4096x128xf32>
    %add3A_479 = arith.addf %dot_general3A_477, %add3A_478 : vector<4096x128xf32>
    %max3A_480 = arith.constant 0.000000e+00 : f32
    %max3A_481 = vector.broadcast %max3A_480 : f32 to vector<4096x128xf32>
    %max3A_482 = arith.maximumf %add3A_479, %max3A_481 : vector<4096x128xf32>
    %mul3A_483 = vector.broadcast %get3A_80 : vector<4096x1xf32> to vector<4096x128xf32>
    %mul3A_484 = arith.mulf %max3A_482, %mul3A_483 : vector<4096x128xf32>
    %convert_element_type3A_485 = arith.truncf %mul3A_484 : vector<4096x128xf32> to vector<4096x128xbf16>
    %dot_general3A_486 = arith.constant dense<0.000000e+00> : vector<4096x384xf32>
    %dot_general3A_487 = tpu.matmul %convert_element_type3A_485, %get3A_68, %dot_general3A_486 {dimension_numbers = #tpu.dot_dimension_numbers<[1], [0], [0], [1], [0, 0, 1, 1], [], []>, transpose_lhs_hint = false} : vector<4096x128xbf16>, vector<128x384xbf16>, vector<4096x384xf32> -> vector<4096x384xf32>
    %add3A_488 = vector.broadcast %get3A_71 : vector<1x384xf32> to vector<4096x384xf32>
    %add3A_489 = arith.addf %dot_general3A_487, %add3A_488 : vector<4096x384xf32>
    %max3A_490 = arith.constant 0.000000e+00 : f32
    %max3A_491 = vector.broadcast %max3A_490 : f32 to vector<4096x384xf32>
    %max3A_492 = arith.maximumf %add3A_489, %max3A_491 : vector<4096x384xf32>
    %convert_element_type3A_493 = arith.truncf %max3A_492 : vector<4096x384xf32> to vector<4096x384xbf16>
    %dot_general3A_494 = arith.constant dense<0.000000e+00> : vector<4096x93xf32>
    %dot_general3A_495 = tpu.matmul %convert_element_type3A_493, %get3A_74, %dot_general3A_494 {dimension_numbers = #tpu.dot_dimension_numbers<[1], [0], [0], [1], [0, 0, 1, 1], [], []>, transpose_lhs_hint = false} : vector<4096x384xbf16>, vector<384x93xbf16>, vector<4096x93xf32> -> vector<4096x93xf32>
    %add3A_496 = vector.broadcast %get3A_77 : vector<1x93xf32> to vector<4096x93xf32>
    %add3A_497 = arith.addf %dot_general3A_495, %add3A_496 : vector<4096x93xf32>
    %slice3A_498 = vector.extract_strided_slice %add3A_497 {offsets = [0, 0], sizes = [4096, 64], strides = [1, 1]} : vector<4096x93xf32> to vector<4096x64xf32>
    %swap3A = arith.constant 0 : index
    %swap3A_499 = arith.constant 0 : index
    %swap3A_500 = vector.load %arg12[%swap3A, %swap3A_499] : memref<4096x64xf32, #tpu.memory_space<vmem>>, vector<4096x64xf32>
    tpu.vector_store %arg12[%swap3A, %swap3A_499], %slice3A_498 {strides = array<i32>} : memref<4096x64xf32, #tpu.memory_space<vmem>>, vector<4096x64xf32>,
    %slice3A_501 = vector.extract_strided_slice %add3A_497 {offsets = [0, 64], sizes = [4096, 21], strides = [1, 1]} : vector<4096x93xf32> to vector<4096x21xf32>
    %swap3A_502 = arith.constant 0 : index
    %swap3A_503 = arith.constant 0 : index
    %swap3A_504 = vector.load %arg13[%swap3A_502, %swap3A_503] : memref<4096x21xf32, #tpu.memory_space<vmem>>, vector<4096x21xf32>
    tpu.vector_store %arg13[%swap3A_502, %swap3A_503], %slice3A_501 {strides = array<i32>} : memref<4096x21xf32, #tpu.memory_space<vmem>>, vector<4096x21xf32>,
    %slice3A_505 = vector.extract_strided_slice %add3A_497 {offsets = [0, 85], sizes = [4096, 8], strides = [1, 1]} : vector<4096x93xf32> to vector<4096x8xf32>
    %swap3A_506 = arith.constant 0 : index
    %swap3A_507 = arith.constant 0 : index
    %swap3A_508 = vector.load %arg14[%swap3A_506, %swap3A_507] : memref<4096x8xf32, #tpu.memory_space<vmem>>, vector<4096x8xf32>
    tpu.vector_store %arg14[%swap3A_506, %swap3A_507], %slice3A_505 {strides = array<i32>} : memref<4096x8xf32, #tpu.memory_space<vmem>>, vector<4096x8xf32>,
    return
  }
  func.func @transform_0(%arg0: i32) -> (i32, i32, i32) {
    %c0_i32 = arith.constant 0 : i32
    %c0_i32_0 = arith.constant 0 : i32
    %c0_i32_1 = arith.constant 0 : i32
    return %arg0, %c0_i32, %c0_i32_0 : i32, i32, i32
  }
  func.func @transform_1(%arg0: i32) -> (i32, i32) {
    %c0_i32 = arith.constant 0 : i32
    %c0_i32_0 = arith.constant 0 : i32
    return %arg0, %c0_i32 : i32, i32
  }
  func.func @transform_2(%arg0: i32) -> (i32, i32) {
    %c0_i32 = arith.constant 0 : i32
    %c0_i32_0 = arith.constant 0 : i32
    return %arg0, %c0_i32 : i32, i32
  }
  func.func @transform_3(%arg0: i32) -> (i32, i32) {
    %c0_i32 = arith.constant 0 : i32
    %c0_i32_0 = arith.constant 0 : i32
    %c0_i32_1 = arith.constant 0 : i32
    return %c0_i32, %c0_i32_0 : i32, i32
  }
  func.func @transform_4(%arg0: i32) -> (i32, i32) {
    %c0_i32 = arith.constant 0 : i32
    %c0_i32_0 = arith.constant 0 : i32
    %c0_i32_1 = arith.constant 0 : i32
    return %c0_i32, %c0_i32_0 : i32, i32
  }
  func.func @transform_5(%arg0: i32) -> (i32, i32) {
    %c0_i32 = arith.constant 0 : i32
    %c0_i32_0 = arith.constant 0 : i32
    %c0_i32_1 = arith.constant 0 : i32
    return %c0_i32, %c0_i32_0 : i32, i32
  }
  func.func @transform_6(%arg0: i32) -> (i32, i32) {
    %c0_i32 = arith.constant 0 : i32
    %c0_i32_0 = arith.constant 0 : i32
    %c0_i32_1 = arith.constant 0 : i32
    return %c0_i32, %c0_i32_0 : i32, i32
  }
  func.func @transform_7(%arg0: i32) -> (i32, i32) {
    %c0_i32 = arith.constant 0 : i32
    %c0_i32_0 = arith.constant 0 : i32
    %c0_i32_1 = arith.constant 0 : i32
    return %c0_i32, %c0_i32_0 : i32, i32
  }
  func.func @transform_8(%arg0: i32) -> (i32, i32) {
    %c0_i32 = arith.constant 0 : i32
    %c0_i32_0 = arith.constant 0 : i32
    %c0_i32_1 = arith.constant 0 : i32
    return %c0_i32, %c0_i32_0 : i32, i32
  }
  func.func @transform_9(%arg0: i32) -> (i32, i32) {
    %c0_i32 = arith.constant 0 : i32
    %c0_i32_0 = arith.constant 0 : i32
    %c0_i32_1 = arith.constant 0 : i32
    return %c0_i32, %c0_i32_0 : i32, i32
  }
  func.func @transform_10(%arg0: i32) -> (i32, i32) {
    %c0_i32 = arith.constant 0 : i32
    %c0_i32_0 = arith.constant 0 : i32
    %c0_i32_1 = arith.constant 0 : i32
    return %c0_i32, %c0_i32_0 : i32, i32
  }
  func.func @transform_11(%arg0: i32) -> (i32, i32) {
    %c0_i32 = arith.constant 0 : i32
    %c0_i32_0 = arith.constant 0 : i32
    return %arg0, %c0_i32 : i32, i32
  }
  func.func @transform_12(%arg0: i32) -> (i32, i32) {
    %c0_i32 = arith.constant 0 : i32
    %c0_i32_0 = arith.constant 0 : i32
    return %arg0, %c0_i32 : i32, i32
  }
  func.func @transform_13(%arg0: i32) -> (i32, i32) {
    %c0_i32 = arith.constant 0 : i32
    %c0_i32_0 = arith.constant 0 : i32
    return %arg0, %c0_i32 : i32, i32
  }
}

</mosaic_0001>

<sc_bundles>
// kernel: sparse-core-data-format-call.1.cloned.1.call-start
scs
called_computation.1_lowered:
.L_overlay_start_0:
0x0: {  	s2 =	sld [smem:$0x3FD9]  }
0x1: {  	s3 =	sld [smem:$0x3FFE];
	_ =	sdelay $0x1  }
0x2: {  	s1 =	srdreg.scid  }
0x3: {  	s0 =	sand.u32 $0x1, s1  }
0x4: {  	s15 =	sshll.u32 s0, $0xA;
	s2 =	sadd.s32 s3, s2  }
0x5: {  	s2 =	sadd.s32 s2, s15  }
0x6: {  	[smem:$0x3FB3] =	sst s2  }
0x7: {  	_ = 	snop  }
0x8: {  	s2 =	sld [smem:$0x3FD0];
	_ =	sdelay $0x2  }
0x9: {  	s16 =	simm.s32 $0xB;
	s4 =	simm.s32 $0x10  }
0xa: {  	[smem:s4], [sflag:s16] =	dma.local [hbm:s2], $0x1  }
0xb: {  	_ =	swait.eq [sflag:s16], $0x1  }
0xc: {  	[sflag:s16] =	ssyncset.done $0x0  }
0xd: {  	[sflag:s16] =	ssyncadd.s32 $0xFFFFFFFF  }
0xe: {  	s17 =	sld [smem:$0x10];
	(tm) =	ssettm $0x1  }
0xf: {  	s18 =	sld [smem:$0x3FFB];
	_ =	sdelay $0x3  }
0x10: {  	_ =	strace s18  }
0x11: {  	s3 =	sld [smem:$0x3FFC];
	_ =	sdelay $0x3  }
0x12: {  	_ =	strace s3  }
0x13: {  	s3 =	sld [smem:$0x3FFD];
	_ =	sdelay $0x3  }
0x14: {  	_ =	strace s3  }
0x15: {  	_ =	strace $0x8FFFFFFF  }
0x16: {  	s19 =	sld [smem:$0x3FDB];
	_ =	sdelay $0x1  }
0x17: {  	s20 =	simm.s32 $_scs_section_size  }
0x18: {  	s5 =	simm.s32 $_size__tile_overlayer_lowered;
	s6 =	simm.s32 $_tile_overlayer_lowered  }
0x19: {  	s23 =	simm.s32 $0x1BFF;
	s22 =	sshll.u32 s6, $0x1;
	s3 =	sadd.s32 s20, s19  }
0x1a: {  	s7 =	simm.s32 $0x0;
	s21 =	sshll.u32 s5, $0x1;
	s5 =	sadd.s32 s22, s3  }
0x1b: {  	[timem:s7], [sflag:s23] =	dma.local [hbm:s5], s21  }
0x1c: {  	_ =	swait.ge [sflag:s23], s21  }
0x1d: {  	s4 =	ssub.s32 $0x0, s21;
	[sflag:s23] =	ssyncset.done $0x0  }
0x1e: {  	[sflag:s23] =	ssyncadd.s32 s4;
	_ =	sdelay $0x1  }
0x1f: {  	s24 =	simm.s32 $0x1B8B  }
0x20: {  	_ =	swait.ge [sflag:s24], $0x1  }
0x21: {  	[sflag:s24] =	ssyncset.done $0x0  }
0x22: {  	s26 =	simm.s32 $0x1B8E;
	s25 =	sld [smem:$0x3FFE];
	[sflag:s24] =	ssyncadd.s32 $0xFFFFFFFF  }
0x23: {  	s27 =	simm.s32 $execute0_lowered;
	[smem:$0x3FD2] =	sst s26  }
0x24: {  	s5 =	sshll.u32 s27, $0x1;
	_ =	strace $0x80000046;
	[dreg:$0x1] =	wrdreg $0xFFFFFFFF  }
0x25: {  	s28 =	simm.s32 $_size_execute0_lowered;
	s3 =	sadd.s32 s3, s5;
	[dreg:$0x0] =	wrdreg $0x0  }
0x26: {  	s5 =	sshll.u32 s28, $0x1;
	[dreg:$0x2] =	wrdreg s3  }
0x27: {  	[dreg:$0x3] =	wrdreg s5  }
0x28: {  	[dreg:$0x4] =	wrdreg $0xC0  }
0x29: {  	_ =	task [dreg:s7], $0x5FFFF  }
0x2a: {  	[dreg:$0x1] =	wrdreg $0xFFFFFFFF  }
0x2b: {  	[dreg:$0x0] =	wrdreg $0x60  }
0x2c: {  	[dreg:$0x2] =	wrdreg s25  }
0x2d: {  	[dreg:$0x3] =	wrdreg s17  }
0x2e: {  	[dreg:$0x4] =	wrdreg $0xA  }
0x2f: {  	_ =	task.clear_ibuf [dreg:s7], $0x5FFFF;
	_ =	strace $0x90000046  }
0x30: {  	s29 =	simm.s32 $0xA;
	_ =	strace $0x80000048  }
0x31: {  	_ =	swait.ge [sflag:s29], $0x1  }
0x32: {  	[sflag:s29] =	ssyncadd.s32 $0xFFFFFFFF  }
0x33: {  	_ =	strace $0x90000048  }
0x34: {  	_ =	sfence  }
0x35: {  	s30 =	sld [smem:$0x0];
	_ =	sdelay $0x2  }
0x36: {  	s31 =	sshll.u32 s1, $0xD;
	s1 =	sshrl.u32 s1, $0x2  }
0x37: {  	s3 =	sand.u32 $0x4000, s31;
	s1 =	sadd.s32 s1, s30  }
0x38: {  	s0 =	sor.u32 s3, s0;
	s1 =	sshll.u32 s1, $0x11  }
0x39: {  	s0 =	sor.u32 s1, s0  }
0x3a: {  	s0 =	sadd.s32 $0x8F2B, s0  }
0x3b: {  	[sflag:s0] =	ssyncadd.remote.s32 $0x1  }
0x3c: {  	_ =	sfence.sel $0xFFFF  }
0x3d: {  	[dreg:$0x0] =	wrdreg $0xFFFFFFFF;
	(pc) =	sbr.abs _section_cstart, $3  }
0x3e: {  	[dreg:$0x1] =	wrdreg $0xFFFFFFFF  }
0x3f: {  	_ =	task.clear_ibuf [dreg:s7], $0x2FFFF;
	_ =	strace $0x9FFFFFFF  }
0x40: {  	(tm) =	ssettm $0x7FFFFFFF  }
0x41: {  	_ =	shalt  }
tec
execute0_lowered:
.L_overlay_start_1:
0x0: {  	(tag) =	ssettag $0x1  }
0x1: {  	s0 =	srdreg.scid;
	s6 =	rddreg [dreg:$0x0]  }
0x2: {  	s3 =	rddreg [dreg:$0x1];
	s1 =	sshll.u32 s0, $0x4  }
0x3: {  	s5 =	simm.s32 $0x1;
	s0 =	stileid.u32;
	s1 =	sand.u32 $0x10, s1  }
0x4: {  	s31 =	simm.s32 $0x2;
	s18 =	simm.s32 $0x0;
	s1 =	sor.u32 s0, s1  }
0x5: {  	s8 =	simm.s32 $0x80000;
	s17 =	simm.s32 $0x0;
	s2 =	sshll.u32 s1, $0x7  }
0x6: {  	s16 =	simm.s32 $0x0;
	s9 =	simm.s32 $0x0;
	s4 =	ssub.s32 $0x2000, s2  }
0x7: {  	s10 =	simm.s32 $0x0;
	s11 =	simm.s32 $0x0;
	s30 =	sand.u32 $0xF80, s4  }
0x8: {  	s12 =	simm.s32 $0x0;
	s13 =	simm.s32 $0x0;
	p0 =	sne.s32 s30, $0x0  }
.Ltmp0:
0x9: {  	s7 =	sshrl.u32 s4, $0xC;
	s5 =	simm.s32 @!p0 $0x0;
	(pc) =	sbr.rel .LBB1_1-.Ltmp0, $4  }
0xa: {  	s15 =	simm.s32 $0x0;
	s1 =	rddreg [dreg:$0x2];
	s5 =	sadd.s32 s5, s7  }
0xb: {  	_ =	strace $0x80000047;
	s4 =	simm.s32 $0x1;
	s5 =	smul.u32 $0xC0, s5  }
0xc: {  	s6 =	sadd.s32 $0x2002E00, s6;
	s14 =	smov.u32 s2;
	[sflag:s4] =	ssyncpa.u1 $0x0  }
0xd: {  	[sflag:s31] =	ssyncpa.u1 $0x0;
	p0 =	por $0x0, $0x0;
	s7 =	sor.u32 $0x1, s5  }
.LBB1_4:
0xe: {  	s21 =	sshll.u32 s11, $0x3;
	s22 =	sand.u32 $0x78, s11;
	p1 =	sgt.s32 s10, $0x3F  }
0xf: {  	s24 =	sshra.s32 s10, $0x1F;
	p2 =	sgt.s32 s9, $0xD;
	s25 =	sshra.s32 s11, $0x1F  }
0x10: {  	s27 =	sshra.s32 s9, $0x1F;
	s30 =	sshll.u32 s10, $0xD;
	s23 =	sand.u32 $0x1C00, s21  }
0x11: {  	s31 =	sshll.u32 s10, $0x7;
	s22 =	sor.u32 s22, s23;
	s23 =	smov.u32 s10  }
0x12: {  	s24 =	sand.u32 s24, s10;
	s25 =	sand.u32 s25, s11;
	s23 =	simm.s32 @!p1 $0x3F  }
0x13: {  	p1 =	sgt.s32 s11, $0x1F80;
	s23 =	ssub.s32 s23, s24;
	s24 =	smov.u32 s11  }
0x14: {  	s21 =	sand.u32 $0x7FC00, s21;
	s26 =	sadd.s32 $0xFFFFFFC1, s23;
	s24 =	simm.s32 @!p1 $0x1F80  }
0x15: {  	s23 =	ssub.s32 $0x40, s23;
	p1 =	sgt.s32 s26, $0x0;
	s26 =	smov.u32 s9  }
0x16: {  	s24 =	ssub.s32 s24, s25;
	s25 =	sand.u32 s27, s9;
	s27 =	sshll.u32 s9, $0x10  }
0x17: {  	s26 =	simm.s32 @!p2 $0xD;
	s23 =	simm.s32 @p1 $0x0;
	s28 =	sadd.s32 $0xFFFFE080, s24  }
0x18: {  	s24 =	ssub.s32 $0x2000, s24;
	s25 =	ssub.s32 s26, s25;
	p1 =	sgt.s32 s28, $0x7F  }
0x19: {  	s26 =	sand.u32 $0x70000, s30;
	s28 =	sand.u32 $0x7, s11;
	s29 =	sadd.s32 $0xFFFFFFF3, s25  }
0x1a: {  	s24 =	simm.s32 @p1 $0x0;
	s25 =	ssub.s32 $0x15, s25;
	s21 =	sadd.s32 s21, s26  }
0x1b: {  	p1 =	sgt.s32 s29, $0x7;
	s23 =	smul.u32 s24, s23;
	s24 =	sand.u32 $0x380, s31  }
0x1c: {  	s21 =	sshrl.u32 s21, $0x3;
	s22 =	sor.u32 s24, s22;
	s25 =	simm.s32 @p1 $0x0  }
0x1d: {  	s21 =	sand.u32 $0xFC00, s21;
	s24 =	sadd.s32 s3, s27;
	s23 =	smul.u32 s25, s23  }
0x1e: {  	s29 =	sshll.u32 s28, $0x12;
	s22 =	sshrl.u32 s22, $0x3;
	s21 =	sadd.s32 s21, s24  }
0x1f: {  	[tilespmem:s20+$0x0 ss:$0x81] =	vst.msk $0xff, v0;
	s31 =	sor.u32 $0x80, s29;
	s21 =	sadd.s32 s22, s21;
	s30 =	sand.u32 $0x3FFFFFFF, s23  }
0x20: {  	[hbm4b:s21+s31] =	stream.strided.scatter [tilespmem:s19], [sflag:$0x2], s30, s8, s31, $0x20;
	[tilespmem:$0x1010] =	vst v63  }
.LBB1_5:
0x21: {  	p1 =	slt.u32 s15, $0x2  }
0x22: {  	p2 =	sgt.s32 @!p1 s18, $0xD  }
0x23: {  	s19 =	smov.u32 s18;
	s20 =	sshra.s32 @!p1 s18, $0x1F;
	p2 =	por !p2, p1  }
0x24: {  	s18 =	sand.u32 @!p1 s20, s18;
	s19 =	simm.s32 @p2 $0xD  }
0x25: {  	s20 =	sshra.s32 @!p1 s17, $0x1F;
	p2 =	sgt.s32 @!p1 s17, $0x3F;
	s18 =	ssub.s32 @!p1 s19, s18  }
0x26: {  	p2 =	por !p2, p1;
	s19 =	smov.u32 s17;
	s17 =	sand.u32 @!p1 s20, s17  }
0x27: {  	s20 =	sshra.s32 @!p1 s16, $0x1F;
	s19 =	simm.s32 @p2 $0x3F;
	p2 =	sgt.s32 @!p1 s16, $0x1F80  }
0x28: {  	s17 =	ssub.s32 @!p1 s19, s17;
	p2 =	por !p2, p1;
	s19 =	smov.u32 s16  }
0x29: {  	s16 =	sand.u32 @!p1 s20, s16;
	s20 =	sadd.s32 @!p1 $0xFFFFFFC1, s17;
	s19 =	simm.s32 @p2 $0x1F80  }
0x2a: {  	p2 =	sgt.s32 @!p1 s20, $0x0;
	s16 =	ssub.s32 @!p1 s19, s16  }
0x2b: {  	s17 =	ssub.s32 @!p1 $0x40, s17;
	p2 =	por !p2, p1;
	s19 =	sadd.s32 @!p1 $0xFFFFE080, s16  }
0x2c: {  	s17 =	simm.s32 @!p2 $0x0;
	p2 =	sgt.s32 @!p1 s19, $0x7F  }
0x2d: {  	s21 =	smov.u32 s14;
	s16 =	ssub.s32 @!p1 $0x2000, s16;
	p2 =	por !p2, p1  }
0x2e: {  	s20 =	sadd.s32 @!p1 $0xFFFFFFF3, s18;
	s19 =	sadd.s32 $0x8, s12;
	s16 =	simm.s32 @!p2 $0x0  }
0x2f: {  	p2 =	sgt.s32 s19, $0x14;
	s16 =	smul.u32 @!p1 s16, s17;
	s17 =	simm.s32 $0x1  }
0x30: {  	p0 =	por !p0, !p0;
	p3 =	sgt.s32 @!p1 s20, $0x7;
	s17 =	simm.s32 @!p2 $0x0  }
0x31: {  	s18 =	ssub.s32 @!p1 $0x15, s18;
	p3 =	por !p3, p1;
	s20 =	sadd.s32 s17, s13  }
0x32: {  	s18 =	simm.s32 @!p3 $0x0;
	s17 =	sadd.s32 $0x1000, s14;
	p3 =	sgt.s32 s20, $0x3F  }
0x33: {  	s22 =	simm.s32 @!p1 $0x2;
	s19 =	simm.s32 @p2 $0x0;
	s21 =	smov.u32 @p3 s17  }
0x34: {  	s16 =	smul.u32 @!p1 s18, s16;
	s18 =	smov.u32 s9;
	p2 =	sgt.s32 s21, $0x1FFF  }
0x35: {  	s9 =	smov.u32 s12;
	s21 =	smov.u32 @p2 s2;
	p2 =	sne.s32 s15, s7  }
.Ltmp1:
0x36: {  	s12 =	smov.u32 s19;
	s16 =	sand.u32 @!p1 $0x3FFFFFFF, s16;
	(pc) =	sbr.rel @!p2 .LBB1_6-.Ltmp1, $4  }
0x37: {  	s20 =	simm.s32 @p3 $0x0;
	s17 =	smov.u32 s10;
	s10 =	smov.u32 s13  }
0x38: {  	_ =	swait.ge @!p1 [sflag:s22], s16;
	s23 =	ssub.s32 @!p1 $0x0, s16;
	s16 =	smov.u32 s11  }
0x39: {  	s11 =	smov.u32 s14;
	s13 =	smov.u32 s20;
	[sflag:s22] =	ssyncset.done @!p1 $0x0  }
0x3a: {  	s15 =	sadd.s32 $0x1, s15;
	[sflag:s22] =	ssyncadd.s32 @!p1 s23;
	s14 =	smov.u32 s21  }
.LBB1_1:
0x3b: {  	p1 =	sge.u32 s15, s5  }
0x3c: {  	s19 =	sshll.u32 @!p1 s13, $0x7;
	s20 =	sshll.u32 @!p1 s12, $0x3  }
0x3d: {  	s31 =	sadd.s32 $0xFFFFFFFF, s15;
	s21 =	sand.u32 @!p1 $0x1C00, s19;
	s20 =	sand.u32 @!p1 $0x1C00, s20  }
0x3e: {  	s22 =	sxor.u32 @!p1 $0xFFFFFFFF, s15;
	s19 =	sand.u32 @!p1 $0x380, s19;
	s20 =	sadd.s32 @!p1 s21, s20  }
0x3f: {  	s21 =	sshrl.u32 @!p1 s12, $0x3;
	s19 =	sor.u32 @!p1 s19, s20;
	s20 =	sshll.u32 @!p1 s14, $0xA  }
0x40: {  	s22 =	sshll.u32 @!p1 s22, $0xA;
	s21 =	sand.u32 @!p1 $0xF, s21;
	s20 =	sadd.s32 @!p1 s6, s20  }
0x41: {  	s19 =	sshrl.u32 @!p1 s19, $0x3;
	s20 =	sadd.s32 @!p1 s21, s20;
	s21 =	sand.u32 @!p1 $0x7, s12  }
0x42: {  	s22 =	sand.u32 @!p1 $0x400, s22;
	s19 =	sand.u32 @!p1 $0x3F0, s19;
	s21 =	sshll.u32 @!p1 s21, $0x12  }
0x43: {  	s19 =	sadd.s32 @!p1 s19, s20;
	s20 =	sor.u32 @!p1 $0x8, s21;
	s21 =	simm.s32 @!p1 $0x2000  }
0x44: {  	[tilespmem:s22], [sflag:$0x1] =	stream.strided.gather @!p1 [hbm4b:s19+s20], $0x400, s21, s20, $0x38;
	[tilespmem:$0x1010] =	vst v63  }
0x45: {  	p1 =	sge.u32 s31, s5  }
.Ltmp2:
0x46: {  	_ = 	snop;
	(pc) =	sbr.rel @p1 .LBB1_5-.Ltmp2, $1  }
0x47: {  	_ =	sdelay $0x3  }
0x48: {  	s19 =	simm.s32 $0x1  }
0x49: {  	s19 =	simm.s32 @!p0 $0x0  }
0x4a: {  	s20 =	sshll.u32 s19, $0xA  }
0x4b: {  	v1 =	vmov s20;
	_ =	sdelay $0x1  }
0x4c: {  	_ =	swait.ge [sflag:s4], $0x400  }
0x4d: {  	s31 =	sand.u32 $0x1, s15;
	[sflag:s4] =	ssyncset.done $0x0  }
0x4e: {  	s22 =	simm.s32 $0x0;
	s19 =	smul.u32 $0x1020, s19;
	[sflag:s4] =	ssyncadd.s32 $0xFFFFFC00  }
0x4f: {  	s20 =	smul.u32 $0x1020, s31;
	v0 =	vld.idx.msk [tilespmem:v1+s22+$0x0 ss:$0x1], $0xff;
	_ =	sdelay $0x1  }
0x50: {  	s19 =	sshrl.u32 s19, $0x2;
	s21 =	sshrl.u32 s20, $0x2  }
0x51: {  	s20 =	sor.u32 $0x800, s19;
	s19 =	sor.u32 $0x800, s21;
	s21 =	simm.s32 $0x20  }
.LBB1_3:
0x52: {  	s22 =	sshra.s32 s21, $0x2;
	p1 =	sne.s32 s21, $0xFE0;
	s21 =	sadd.s32 $0x20, s21  }
.Ltmp3:
0x53: {  	[tilespmem:s20+$0x0 ss:$0x81] =	vst.msk $0xff, v0;
	v0 =	vld.idx.msk [tilespmem:v1+s22+$0x0 ss:$0x1], $0xff;
	(pc) =	sbr.rel @p1 .LBB1_3-.Ltmp3, $2  }
0x54: {  	_ =	sdelay $0x2  }
0x55: {  	s20 =	sadd.s32 $0x1, s20  }
.Ltmp4:
0x56: {  	_ = 	snop;
	(pc) =	sbr.rel .LBB1_4-.Ltmp4, $1  }
0x57: {  	_ =	sdelay $0x3  }
.LBB1_6:
0x58: {  	_ =	sfence.sel $0x180000  }
0x59: {  	s2 =	simm.s32 $0x1;
	[bflag:$0x0] =	sbarrier.arrive $0xFFFF  }
0x5a: {  	s31 =	simm.s32 $0x2;
	[sflag:s2] =	ssyncpa.u1 $0x1  }
0x5b: {  	[sflag:s31] =	ssyncpa.u1 $0x1  }
0x5c: {  	p0 =	sne.s32 s0, $0x0;
	_ =	strace $0x90000047  }
0x5d: {  	s0 =	sadd.s32 @!p0 $0x100000, s1;
	[bflag:$0x2] =	sbarrier.arrive $0xFFFF  }
0x5e: {  	[sflag:s0] =	ssyncadd.tile.s32 @!p0 $0x1;
	_ =	shalt  }
.Lfunc_end1:
_tile_overlayer_lowered:
.L_overlay_start_2:
0x5f: {  	(tag) =	ssettag $0x2  }
0x60: {  	s0 =	rddreg [dreg:$0x0];
	s2 =	stileid.u32  }
0x61: {  	s1 =	rddreg [dreg:$0x1];
	p0 =	sne.s32 s2, $0x0  }
0x62: {  	s3 =	rddreg [dreg:$0x2];
	[bflag:$0x3] =	sbarrier.arrive $0xFFFF;
	s2 =	simm.s32 @!p0 $0x1C01  }
0x63: {  	[timem:s3], [sflag:s2] =	dma.local @!p0 [hbm:s0], s1  }
0x64: {  	s0 =	simm.s32 @!p0 $0x1  }
0x65: {  	_ =	swait.ge @!p0 [sflag:s0], s1  }
0x66: {  	s1 =	ssub.s32 @!p0 $0x0, s1;
	[sflag:s0] =	ssyncset.done @!p0 $0x0  }
0x67: {  	[sflag:s0] =	ssyncadd.s32 @!p0 s1  }
0x68: {  	[bflag:$0x3] =	sbarrier.arrive $0xFFFF  }
0x69: {  	_ =	shalt  }

// kernel: sparse-core-data-format-call.cloned.1.call-start
scs
called_computation_lowered:
.L_overlay_start_0:
0x0: {  	s2 =	sld [smem:$0x3FD9]  }
0x1: {  	s3 =	sld [smem:$0x3FFE];
	_ =	sdelay $0x1  }
0x2: {  	s1 =	srdreg.scid  }
0x3: {  	s0 =	sand.u32 $0x1, s1  }
0x4: {  	s16 =	sshll.u32 s0, $0xA;
	s2 =	sadd.s32 s3, s2  }
0x5: {  	s2 =	sadd.s32 s2, s16  }
0x6: {  	[smem:$0x3FB3] =	sst s2  }
0x7: {  	_ = 	snop  }
0x8: {  	s2 =	sld [smem:$0x3FD0];
	_ =	sdelay $0x2  }
0x9: {  	s17 =	simm.s32 $0xB;
	s4 =	simm.s32 $0x10  }
0xa: {  	[smem:s4], [sflag:s17] =	dma.local [hbm:s2], $0x1  }
0xb: {  	_ =	swait.eq [sflag:s17], $0x1  }
0xc: {  	[sflag:s17] =	ssyncset.done $0x0  }
0xd: {  	[sflag:s17] =	ssyncadd.s32 $0xFFFFFFFF  }
0xe: {  	s18 =	sld [smem:$0x12];
	(tm) =	ssettm $0x1  }
0xf: {  	s19 =	sld [smem:$0x3FFB];
	_ =	sdelay $0x3  }
0x10: {  	_ =	strace s19  }
0x11: {  	s2 =	sld [smem:$0x3FFC];
	_ =	sdelay $0x3  }
0x12: {  	_ =	strace s2  }
0x13: {  	s2 =	sld [smem:$0x3FFD];
	_ =	sdelay $0x3  }
0x14: {  	_ =	strace s2  }
0x15: {  	_ =	strace $0x8FFFFFFF  }
0x16: {  	s20 =	sld [smem:$0x3FDB];
	_ =	sdelay $0x1  }
0x17: {  	s21 =	simm.s32 $_scs_section_size  }
0x18: {  	s5 =	simm.s32 $_size__tile_overlayer_lowered;
	s6 =	simm.s32 $_tile_overlayer_lowered  }
0x19: {  	s7 =	simm.s32 $0x1BFF;
	s22 =	sshll.u32 s6, $0x1;
	s4 =	sadd.s32 s21, s20  }
0x1a: {  	s23 =	simm.s32 $0x0;
	s5 =	sshll.u32 s5, $0x1;
	s6 =	sadd.s32 s22, s4  }
0x1b: {  	[timem:s23], [sflag:s7] =	dma.local [hbm:s6], s5  }
0x1c: {  	_ =	swait.ge [sflag:s7], s5  }
0x1d: {  	s5 =	ssub.s32 $0x0, s5;
	[sflag:s7] =	ssyncset.done $0x0  }
0x1e: {  	[sflag:s7] =	ssyncadd.s32 s5;
	_ =	sdelay $0x1  }
0x1f: {  	s24 =	simm.s32 $0x1B8B  }
0x20: {  	_ =	swait.ge [sflag:s24], $0x1  }
0x21: {  	[sflag:s24] =	ssyncset.done $0x0  }
0x22: {  	[sflag:s24] =	ssyncadd.s32 $0xFFFFFFFF  }
0x23: {  	s5 =	sld [smem:$0x0]  }
0x24: {  	s6 =	sand.u32 $0xFFFFFFFE, s1  }
0x25: {  	p0 =	sne.s32 s1, s6  }
0x26: {  	s6 =	sshll.u32 @p0 s6, $0xE  }
0x27: {  	s6 =	sadd.s32 @p0 $0x11B8D, s6;
	s7 =	sshll.u32 @p0 s5, $0x11  }
0x28: {  	s6 =	sor.u32 @p0 s7, s6  }
0x29: {  	[sflag:s6] =	ssyncadd.remote.s32 @p0 $0x1;
	_ =	sdelay $0x1  }
0x2a: {  	s6 =	simm.s32 @p0 $0x1B8D  }
0x2b: {  	_ =	swait.eq @p0 [sflag:s6], $0x1  }
0x2c: {  	[sflag:s6] =	ssyncadd.s32 @p0 $0xFFFFFFFF  }
0x2d: {  	s7 =	sshll.u32 @!p0 s1, $0xE  }
0x2e: {  	s7 =	sor.u32 @!p0 $0x4000, s7;
	s6 =	simm.s32 @!p0 $0x1B8D  }
0x2f: {  	s5 =	sshll.u32 @!p0 s5, $0x11;
	s7 =	sadd.s32 @!p0 $0x11B8D, s7;
	_ =	swait.eq @!p0 [sflag:s6], $0x1  }
0x30: {  	s5 =	sor.u32 @!p0 s5, s7;
	[sflag:s6] =	ssyncadd.s32 @!p0 $0xFFFFFFFF  }
0x31: {  	s26 =	simm.s32 $0x1B8E;
	s25 =	sld [smem:$0x3FFE];
	[sflag:s5] =	ssyncadd.remote.s32 @!p0 $0x1  }
0x32: {  	s27 =	simm.s32 $execute0_lowered;
	[smem:$0x3FD2] =	sst s26  }
0x33: {  	s6 =	sshll.u32 s27, $0x1;
	_ =	strace $0x80000049;
	[dreg:$0x1] =	wrdreg $0xFFFFFFFF  }
0x34: {  	s28 =	simm.s32 $_size_execute0_lowered;
	s4 =	sadd.s32 s4, s6;
	[dreg:$0x0] =	wrdreg $0x0  }
0x35: {  	s6 =	sshll.u32 s28, $0x1;
	[dreg:$0x2] =	wrdreg s4  }
0x36: {  	[dreg:$0x3] =	wrdreg s6  }
0x37: {  	[dreg:$0x4] =	wrdreg $0xC0  }
0x38: {  	_ =	task [dreg:s23], $0x5FFFF  }
0x39: {  	[dreg:$0x1] =	wrdreg $0xFFFFFFFF  }
0x3a: {  	[dreg:$0x0] =	wrdreg $0x60  }
0x3b: {  	[dreg:$0x2] =	wrdreg s25  }
0x3c: {  	[dreg:$0x3] =	wrdreg s18  }
0x3d: {  	[dreg:$0x4] =	wrdreg $0x9  }
0x3e: {  	_ =	task.clear_ibuf [dreg:s23], $0x5FFFF;
	_ =	strace $0x90000049  }
0x3f: {  	s29 =	simm.s32 $0x9;
	_ =	strace $0x8000004B  }
0x40: {  	_ =	swait.ge [sflag:s29], $0x1  }
0x41: {  	[sflag:s29] =	ssyncadd.s32 $0xFFFFFFFF  }
0x42: {  	_ =	strace $0x9000004B  }
0x43: {  	_ =	sfence  }
0x44: {  	s30 =	sld [smem:$0x0];
	_ =	sdelay $0x2  }
0x45: {  	s31 =	sshll.u32 s1, $0xD;
	s1 =	sshrl.u32 s1, $0x2  }
0x46: {  	s4 =	sand.u32 $0x4000, s31;
	s1 =	sadd.s32 s1, s30  }
0x47: {  	s0 =	sor.u32 s4, s0;
	s1 =	sshll.u32 s1, $0x11  }
0x48: {  	s0 =	sor.u32 s1, s0  }
0x49: {  	s0 =	sadd.s32 $0x8F2B, s0  }
0x4a: {  	[sflag:s0] =	ssyncadd.remote.s32 $0x1  }
0x4b: {  	_ =	sfence.sel $0xFFFF  }
0x4c: {  	[dreg:$0x0] =	wrdreg $0xFFFFFFFF;
	(pc) =	sbr.abs _section_cstart, $3  }
0x4d: {  	[dreg:$0x1] =	wrdreg $0xFFFFFFFF  }
0x4e: {  	_ =	task.clear_ibuf [dreg:s23], $0x2FFFF;
	_ =	strace $0x9FFFFFFF  }
0x4f: {  	(tm) =	ssettm $0x7FFFFFFF  }
tec
execute0_lowered:
.L_overlay_start_1:
0x0: {  	(tag) =	ssettag $0x1  }
0x1: {  	s0 =	srdreg.scid  }
0x2: {  	s1 =	sshll.u32 s0, $0x4  }
0x3: {  	s6 =	rddreg [dreg:$0x0];
	s0 =	stileid.u32;
	s1 =	sand.u32 $0x10, s1  }
0x4: {  	s3 =	rddreg [dreg:$0x1];
	s5 =	simm.s32 $0x1;
	s1 =	sor.u32 s0, s1  }
0x5: {  	s31 =	simm.s32 $0x2;
	s12 =	simm.s32 $0x0;
	s2 =	sshll.u32 s1, $0x7  }
0x6: {  	s8 =	simm.s32 $0x10000;
	s13 =	simm.s32 $0x0;
	s4 =	ssub.s32 $0x2000, s2  }
0x7: {  	s9 =	simm.s32 $0x0;
	s11 =	simm.s32 $0x0;
	s30 =	sand.u32 $0xF80, s4  }
.Ltmp0:
0x8: {  	s6 =	sadd.s32 $0x2802E00, s6;
	p0 =	sne.s32 s30, $0x0;
	(pc) =	sbr.rel .LBB1_1-.Ltmp0, $4  }
0x9: {  	s1 =	rddreg [dreg:$0x2];
	s7 =	sshrl.u32 s4, $0xC;
	s5 =	simm.s32 @!p0 $0x0  }
0xa: {  	_ =	strace $0x8000004A;
	s4 =	simm.s32 $0x1;
	s5 =	sadd.s32 s5, s7  }
0xb: {  	s10 =	smov.u32 s2;
	[sflag:s4] =	ssyncpa.u1 $0x0;
	s5 =	sshll.u32 s5, $0x6  }
0xc: {  	[sflag:s31] =	ssyncpa.u1 $0x0;
	p0 =	por $0x0, $0x0;
	s7 =	sor.u32 $0x1, s5  }
.LBB1_4:
0xd: {  	s16 =	sshll.u32 s13, $0x3;
	s17 =	sand.u32 $0x78, s13  }
0xe: {  	s30 =	sand.u32 $0xFC00, s13;
	s12 =	sshll.u32 s12, $0x10;
	s16 =	sand.u32 $0x1C00, s16  }
0xf: {  	[tilespmem:s15+$0x810 ss:$0x81] =	vst.msk $0xffff, v2;
	s31 =	sand.u32 $0x7, s13;
	s16 =	sor.u32 s17, s16;
	s17 =	sadd.s32 s3, s30  }
0x10: {  	[tilespmem:s15+$0x1020 ss:$0x81] =	vst.msk $0xffff, v0;
	s13 =	sshll.u32 s31, $0x12;
	s12 =	sadd.s32 s12, s17;
	s16 =	sshrl.u32 s16, $0x3  }
0x11: {  	[tilespmem:s15+$0x0 ss:$0x81] =	vst.msk $0xffff, v1;
	s13 =	sor.u32 $0x400, s13;
	s12 =	sadd.s32 s16, s12  }
0x12: {  	[hbm4b:s12+s13] =	stream.strided.scatter [tilespmem:s14], [sflag:$0x2], $0x2000, s8, s13, $0x20;
	[tilespmem:$0x8080] =	vst v63  }
.LBB1_5:
0x13: {  	s14 =	sadd.s32 $0x1, s9  }
0x14: {  	s12 =	sadd.s32 $0x1000, s10;
	s16 =	smov.u32 s10;
	p2 =	sgt.s32 s14, $0x3F  }
0x15: {  	s16 =	smov.u32 @p2 s12  }
0x16: {  	s14 =	simm.s32 @p2 $0x0;
	p2 =	sgt.s32 s16, $0x1FFF  }
0x17: {  	s16 =	smov.u32 @p2 s2;
	p2 =	sne.s32 s11, s7  }
.Ltmp1:
0x18: {  	p1 =	slt.u32 s11, $0x2;
	(pc) =	sbr.rel @!p2 .LBB1_6-.Ltmp1, $4  }
0x19: {  	s15 =	simm.s32 @!p1 $0x2  }
0x1a: {  	s13 =	smov.u32 s10;
	p0 =	por !p0, !p0;
	_ =	swait.ge @!p1 [sflag:s15], $0x2000  }
0x1b: {  	s12 =	smov.u32 s9;
	[sflag:s15] =	ssyncset.done @!p1 $0x0;
	s9 =	smov.u32 s14  }
0x1c: {  	s11 =	sadd.s32 $0x1, s11;
	[sflag:s15] =	ssyncadd.s32 @!p1 $0xFFFFE000;
	s10 =	smov.u32 s16  }
.LBB1_1:
0x1d: {  	p1 =	sge.u32 s11, s5  }
0x1e: {  	s31 =	sadd.s32 $0xFFFFFFFF, s11;
	s14 =	sxor.u32 @!p1 $0xFFFFFFFF, s11  }
0x1f: {  	s15 =	sshll.u32 @!p1 s10, $0xA;
	s16 =	sshll.u32 @!p1 s9, $0x4;
	s17 =	simm.s32 @!p1 $0x2000  }
0x20: {  	s14 =	sshll.u32 @!p1 s14, $0xD;
	s16 =	sand.u32 @!p1 $0x3F0, s16;
	s15 =	sadd.s32 @!p1 s6, s15  }
0x21: {  	s14 =	sand.u32 @!p1 $0x2000, s14;
	s15 =	sadd.s32 @!p1 s16, s15;
	s16 =	simm.s32 @!p1 $0x40  }
0x22: {  	[tilespmem:s14], [sflag:$0x1] =	stream.strided.gather @!p1 [hbm4b:s15+s16], $0x2000, s17, s16, $0x38;
	[tilespmem:$0x8080] =	vst v63  }
0x23: {  	p1 =	sge.u32 s31, s5  }
.Ltmp2:
0x24: {  	_ = 	snop;
	(pc) =	sbr.rel @p1 .LBB1_5-.Ltmp2, $1  }
0x25: {  	_ =	sdelay $0x3  }
0x26: {  	s14 =	simm.s32 $0x1  }
0x27: {  	_ =	swait.ge [sflag:s4], $0x2000;
	s14 =	simm.s32 @!p0 $0x0  }
0x28: {  	[sflag:s4] =	ssyncset.done $0x0;
	s15 =	sshll.u32 s14, $0xD  }
0x29: {  	[sflag:s4] =	ssyncadd.s32 $0xFFFFE000;
	s18 =	sor.u32 $0x20, s15  }
0x2a: {  	s14 =	smul.u32 $0x8100, s14;
	v3 =	vld [tilespmem:s18+$0x10]  }
0x2b: {  	s30 =	sand.u32 $0x1, s11;
	v2 =	vld [tilespmem:s18+$0xFFFFFFF0]  }
0x2c: {  	s15 =	smul.u32 $0x8100, s30;
	s14 =	sshrl.u32 s14, $0x2;
	v0 =	vld [tilespmem:s18+$0x0]  }
0x2d: {  	v1 =	vld [tilespmem:s18+$0xFFFFFFE0];
	s16 =	sor.u32 $0x4000, s14  }
0x2e: {  	s31 =	sshrl.u32 s15, $0x2;
	s15 =	sadd.s32 $0x0, s16  }
0x2f: {  	s17 =	simm.s32 $0x4;
	s18 =	sadd.s32 $0x40, s18;
	s14 =	sor.u32 $0x4000, s31;
	[tilespmem:s15+$0x1830 ss:$0x81] =	vst.msk $0xffff, v3  }
.LBB1_3:
0x30: {  	v3 =	vld [tilespmem:s18+$0x10];
	p1 =	sne.s32 s17, $0x1FC;
	[tilespmem:s15+$0x810 ss:$0x81] =	vst.msk $0xffff, v2;
	s19 =	smov.u32 s17;
	s17 =	sadd.s32 $0x4, s17  }
.Ltmp3:
0x31: {  	v2 =	vld [tilespmem:s18+$0xFFFFFFF0];
	[tilespmem:s15+$0x1020 ss:$0x81] =	vst.msk $0xffff, v0;
	(pc) =	sbr.rel @p1 .LBB1_3-.Ltmp3, $4  }
0x32: {  	v0 =	vld [tilespmem:s18+$0x0];
	[tilespmem:s15+$0x0 ss:$0x81] =	vst.msk $0xffff, v1  }
0x33: {  	s15 =	sshra.s32 s19, $0x2;
	v1 =	vld [tilespmem:s18+$0xFFFFFFE0]  }
0x34: {  	s15 =	sadd.s32 s15, s16  }
0x35: {  	s18 =	sadd.s32 $0x40, s18;
	[tilespmem:s15+$0x1830 ss:$0x81] =	vst.msk $0xffff, v3  }
.Ltmp4:
0x36: {  	_ = 	snop;
	(pc) =	sbr.rel .LBB1_4-.Ltmp4, $1  }
0x37: {  	_ =	sdelay $0x3  }
.LBB1_6:
0x38: {  	_ =	sfence.sel $0x180000  }
0x39: {  	s2 =	simm.s32 $0x1;
	[bflag:$0x0] =	sbarrier.arrive $0xFFFF  }
0x3a: {  	s31 =	simm.s32 $0x2;
	[sflag:s2] =	ssyncpa.u1 $0x1  }
0x3b: {  	[sflag:s31] =	ssyncpa.u1 $0x1  }
0x3c: {  	p0 =	sne.s32 s0, $0x0;
	_ =	strace $0x9000004A  }
0x3d: {  	s0 =	sadd.s32 @!p0 $0x100000, s1;
	[bflag:$0x2] =	sbarrier.arrive $0xFFFF  }
0x3e: {  	[sflag:s0] =	ssyncadd.tile.s32 @!p0 $0x1;
	_ =	shalt  }
.Lfunc_end1:
_tile_overlayer_lowered:
.L_overlay_start_2:
0x3f: {  	(tag) =	ssettag $0x2  }
0x40: {  	s0 =	rddreg [dreg:$0x0];
	s2 =	stileid.u32  }
0x41: {  	s1 =	rddreg [dreg:$0x1];
	p0 =	sne.s32 s2, $0x0  }
0x42: {  	s3 =	rddreg [dreg:$0x2];
	[bflag:$0x3] =	sbarrier.arrive $0xFFFF;
	s2 =	simm.s32 @!p0 $0x1C01  }
0x43: {  	[timem:s3], [sflag:s2] =	dma.local @!p0 [hbm:s0], s1  }
0x44: {  	s0 =	simm.s32 @!p0 $0x1  }
0x45: {  	_ =	swait.ge @!p0 [sflag:s0], s1  }
0x46: {  	s1 =	ssub.s32 @!p0 $0x0, s1;
	[sflag:s0] =	ssyncset.done @!p0 $0x0  }
0x47: {  	[sflag:s0] =	ssyncadd.s32 @!p0 s1  }
0x48: {  	[bflag:$0x3] =	sbarrier.arrive $0xFFFF  }
0x49: {  	_ =	shalt  }

</sc_bundles>
